<compile_context>
chip_gen: v7x
topology: tpu7x:2x2x1
jax: 0.10.2.dev20260603
libtpu: 0.0.44.dev20260713+nightly
codegen_flags: <defaults>
</compile_context>

<pallas_src>
import functools

import jax
import jax.numpy as jnp
from jax import lax
from jax.experimental import pallas as pl
from jax.experimental.pallas import tpu as pltpu
from jax.experimental.pallas import tpu_sc as plsc

VOCAB = 1000000
D_EMBED = 32
BATCH = 16384
HIST = 50

NC = 2
NS = 16
NW = NC * NS

RPT = VOCAB // NS
TCH = 625
NTCH = RPT // TCH

BCH = 512
NBCH = BATCH // BCH
SUB = 128
KSUB = BCH // SUB
NCHT = HIST * NBCH // NW
NCH2 = (HIST - NW) * NBCH // NW

_MESH = plsc.VectorSubcoreMesh(core_axis_name="c", subcore_axis_name="s")


def _acc_rows(buf, n, acc, unroll=8):
    def row(i, c):
        c0, c1 = c
        return (c0 + buf[i, pl.ds(0, 16)], c1 + buf[i, pl.ds(16, 16)])

    return lax.fori_loop(0, n, row, acc, unroll=unroll)


@functools.partial(
    pl.kernel,
    mesh=_MESH,
    compiler_params=pltpu.CompilerParams(
        use_tc_tiling_on_sc=False, needs_layout_passes=False),
    out_type=jax.ShapeDtypeStruct((HIST, D_EMBED, BATCH), jnp.float32),
    scratch_types=[
        pltpu.VMEM((TCH, D_EMBED), jnp.float32),
        pltpu.VMEM((TCH, D_EMBED), jnp.float32),
        pltpu.VMEM((32,), jnp.float32),
        pltpu.VMEM((NS, 32), jnp.float32),
        pltpu.VMEM_SHARED((NS, 32), jnp.float32),
        pltpu.VMEM((KSUB, SUB), jnp.int32),
        pltpu.VMEM((KSUB, SUB), jnp.int32),
        pltpu.VMEM((BCH, D_EMBED), jnp.float32),
        pltpu.VMEM((BCH, D_EMBED), jnp.float32),
        pltpu.VMEM((D_EMBED, BCH + 1), jnp.float32),
        pltpu.SemaphoreType.DMA,
        pltpu.SemaphoreType.DMA,
    ],
)
def _zme(x_hbm, table_hbm, out_hbm,
         tbuf0, tbuf1, part_v, all_v, shared, idx_a, idx_b, rows_a, rows_b,
         trows_v, sem1, sem2):
    sid = lax.axis_index("s")
    wid = sid * NC + lax.axis_index("c")

    row0 = sid * RPT
    pltpu.async_copy(table_hbm.at[pl.ds(row0, TCH)], tbuf0, sem1)
    zero = jnp.zeros((16,), jnp.float32)

    def two(g, acc):
        pltpu.async_copy(table_hbm.at[pl.ds(row0 + (2 * g + 1) * TCH, TCH)],
                         tbuf1, sem1)
        pltpu.make_async_copy(table_hbm.at[pl.ds(row0, TCH)], tbuf0, sem1).wait()
        acc = _acc_rows(tbuf0, TCH, acc)

        @pl.when(g < NTCH // 2 - 1)
        def _():
            pltpu.async_copy(table_hbm.at[pl.ds(row0 + (2 * g + 2) * TCH, TCH)],
                             tbuf0, sem1)

        pltpu.make_async_copy(table_hbm.at[pl.ds(row0, TCH)], tbuf1, sem1).wait()
        return _acc_rows(tbuf1, TCH, acc)

    a0, a1 = lax.fori_loop(0, NTCH // 2, two, (zero, zero))
    part_v[pl.ds(0, 16)] = a0
    part_v[pl.ds(16, 16)] = a1

    pltpu.sync_copy(part_v, shared.at[sid])
    plsc.subcore_barrier()
    pltpu.sync_copy(shared, all_v)

    def fold(i, c):
        c0, c1 = c
        return (c0 + all_v[i, pl.ds(0, 16)], c1 + all_v[i, pl.ds(16, 16)])

    scale = -1.0 / VOCAB
    m0, m1 = lax.fori_loop(0, NS, fold, (zero, zero), unroll=4)
    nm0 = m0 * scale
    nm1 = m1 * scale

    lanes = lax.iota(jnp.int32, 16)

    def locate(k):
        cid = wid * NCH2 + (k - NBCH)
        h = jnp.where(k < NBCH, wid, NW + cid // NBCH)
        bg = jnp.where(k < NBCH, k, cid % NBCH)
        return h, bg

    def fire(k, idx_v, rows_v):
        h, bg = locate(k)
        pltpu.sync_copy(x_hbm.at[h, pl.ds(bg * KSUB, KSUB)], idx_v)
        for j in range(KSUB):
            pltpu.async_copy(
                table_hbm.at[idx_v.at[j]],
                rows_v.at[pl.ds(j * SUB, SUB)],
                sem2,
            )

    def process(k, rows_v):
        for j in range(KSUB):
            pltpu.make_async_copy(
                table_hbm.at[idx_a.at[j]],
                rows_v.at[pl.ds(j * SUB, SUB)],
                sem2,
            ).wait()

        def row(i, col):
            plsc.store_scatter(trows_v, [lanes, col],
                               rows_v[i, pl.ds(0, 16)] + nm0)
            plsc.store_scatter(trows_v, [lanes + 16, col],
                               rows_v[i, pl.ds(16, 16)] + nm1)
            return col + 1

        lax.fori_loop(0, BCH, row, jnp.zeros((16,), jnp.int32), unroll=8)
        h, bg = locate(k)
        pltpu.sync_copy(trows_v.at[:, pl.ds(0, BCH)],
                        out_hbm.at[h, :, pl.ds(bg * BCH, BCH)])

    fire(0, idx_a, rows_a)

    def pipelined(p, carry):
        k0 = 2 * p
        fire(k0 + 1, idx_b, rows_b)
        process(k0, rows_a)

        @pl.when(p < NCHT // 2 - 1)
        def _():
            fire(k0 + 2, idx_a, rows_a)

        process(k0 + 1, rows_b)
        return carry

    lax.fori_loop(0, NCHT // 2, pipelined, 0)


def kernel(x, weight):
    xt3 = x.T.reshape(HIST, BATCH // SUB, SUB).astype(jnp.int32)
    out = _zme(xt3, weight)
    return jnp.transpose(out, (2, 0, 1))

# --- scband reference (transcript-rebuilt; emitter-appended) ---
"""Pipeline reference for scband-zero-mean-embedding-67516885893278 (READ-ONLY COPY).

The authoritative reference and input builder live on the scoring server;
editing this copy changes nothing except your own understanding.
"""

import jax, jax.numpy as jnp
import numpy as np

VOCAB = 1000000
D_EMBED = 32
BATCH = 16384
HIST = 50

def setup_inputs(seed: int = 0) -> dict:
    key = jax.random.key(seed)
    k1, k2 = jax.random.split(key)
    x = jax.random.randint(k1, (BATCH, HIST), 0, VOCAB, dtype=jnp.int64 if jax.config.jax_enable_x64 else jnp.int32)
    weight = jax.random.normal(k2, (VOCAB, D_EMBED), dtype=jnp.float32)
    return {"x": x, "weight": weight}

def reference(x, weight):
    # training-mode forward: enforce zero mean (no-grad, in-place in torch), then lookup
    w = weight - jnp.mean(weight, axis=0, keepdims=True)
    return jnp.take(w, x, axis=0)

if __name__ == "__main__":
    import jax
    _d = setup_inputs()
    print(jax.jit(kernel)(*tuple(_d.values())))

</pallas_src>

<mosaic_0001>
#map = affine_map<(d0, d1) -> (0, 0, 0)>
#map1 = affine_map<(d0, d1) -> (0, 0)>
module attributes {stable_mosaic.version = 14 : i64} {
  func.func @_zme(%arg0: i32, %arg1: i32, %arg2: memref<50x128x128xi32, #tpu.memory_space<hbm>>, %arg3: memref<1000000x32xf32, #tpu.memory_space<hbm>>, %arg4: memref<50x32x16384xf32, #tpu.memory_space<hbm>>, %arg5: memref<625x32xf32, #tpu.memory_space<vmem>>, %arg6: memref<625x32xf32, #tpu.memory_space<vmem>>, %arg7: memref<32xf32, #tpu.memory_space<vmem>>, %arg8: memref<16x32xf32, #tpu.memory_space<vmem>>, %arg9: memref<16x32xf32, #tpu.memory_space<vmem_shared>>, %arg10: memref<4x128xi32, #tpu.memory_space<vmem>>, %arg11: memref<4x128xi32, #tpu.memory_space<vmem>>, %arg12: memref<512x32xf32, #tpu.memory_space<vmem>>, %arg13: memref<512x32xf32, #tpu.memory_space<vmem>>, %arg14: memref<32x513xf32, #tpu.memory_space<vmem>>, %arg15: memref<!tpu.dma_semaphore, #tpu.memory_space<semaphore_mem>>, %arg16: memref<!tpu.dma_semaphore, #tpu.memory_space<semaphore_mem>>) attributes {dimension_semantics = [#tpu.dimension_semantics<core_parallel>, #tpu.dimension_semantics<subcore_parallel>], iteration_bounds = array<i64: 2, 16>, scalar_prefetch = 0 : i64, scratch_operands = 12 : i64, tpu.core_type = #tpu.core_type<sc_vector_subcore>, window_params = [{transform_indices = #map}, {transform_indices = #map1}, {transform_indices = #map}]} {
    %mul3A = arith.constant 2 : i32
    %mul3A_0 = arith.muli %arg1, %mul3A : i32
    %add3A = arith.addi %mul3A_0, %arg0 : i32
    %mul3A_1 = arith.constant 62500 : i32
    %mul3A_2 = arith.muli %arg1, %mul3A_1 : i32
    %dma_start3A = arith.constant 0 : i32
    %dma_start3A_3 = tpu.memref_slice %arg3[%mul3A_2, %dma_start3A] : memref<1000000x32xf32, #tpu.memory_space<hbm>> -> memref<625x32xf32, #tpu.memory_space<hbm>>
    %dma_start3A_4 = arith.constant 0 : i32
    %dma_start3A_5 = tpu.memref_slice %arg3[%mul3A_2, %dma_start3A_4] : memref<1000000x32xf32, #tpu.memory_space<hbm>> -> memref<625x32xf32, #tpu.memory_space<hbm>>
    tpu.enqueue_dma source(%dma_start3A_5 : memref<625x32xf32, #tpu.memory_space<hbm>>) target(%arg5 : memref<625x32xf32, #tpu.memory_space<vmem>>) target_semaphore(%arg15 : memref<!tpu.dma_semaphore, #tpu.memory_space<semaphore_mem>>)
    %broadcast_in_dim3A = arith.constant 0.000000e+00 : f32
    %broadcast_in_dim3A_6 = vector.broadcast %broadcast_in_dim3A : f32 to vector<16xf32>
    %scan3A = arith.constant 0 : i32
    %scan3A_7 = arith.constant 50 : i32
    %scan3A_8 = arith.addi %scan3A, %scan3A_7 : i32
    %scan3A_9 = arith.constant 1 : i32
    %scan3A_10:2 = scf.for %scan3A_116 = %scan3A to %scan3A_8 step %scan3A_9 iter_args(%scan3A_117 = %broadcast_in_dim3A_6, %scan3A_118 = %broadcast_in_dim3A_6) -> (vector<16xf32>, vector<16xf32>)  : i32 {
      %mul3A_119 = arith.constant 2 : i32
      %mul3A_120 = arith.muli %mul3A_119, %scan3A_116 : i32
      %add3A_121 = arith.constant 1 : i32
      %add3A_122 = arith.addi %mul3A_120, %add3A_121 : i32
      %mul3A_123 = arith.constant 625 : i32
      %mul3A_124 = arith.muli %add3A_122, %mul3A_123 : i32
      %add3A_125 = arith.addi %mul3A_2, %mul3A_124 : i32
      %dma_start3A_126 = arith.constant 0 : i32
      %dma_start3A_127 = tpu.memref_slice %arg3[%add3A_125, %dma_start3A_126] : memref<1000000x32xf32, #tpu.memory_space<hbm>> -> memref<625x32xf32, #tpu.memory_space<hbm>>
      %dma_start3A_128 = arith.constant 0 : i32
      %dma_start3A_129 = tpu.memref_slice %arg3[%add3A_125, %dma_start3A_128] : memref<1000000x32xf32, #tpu.memory_space<hbm>> -> memref<625x32xf32, #tpu.memory_space<hbm>>
      tpu.enqueue_dma source(%dma_start3A_129 : memref<625x32xf32, #tpu.memory_space<hbm>>) target(%arg6 : memref<625x32xf32, #tpu.memory_space<vmem>>) target_semaphore(%arg15 : memref<!tpu.dma_semaphore, #tpu.memory_space<semaphore_mem>>)
      %dma_wait3A = arith.constant 0 : i32
      %dma_wait3A_130 = tpu.memref_slice %arg3[%mul3A_2, %dma_wait3A] : memref<1000000x32xf32, #tpu.memory_space<hbm>> -> memref<625x32xf32, #tpu.memory_space<hbm>>
      %dma_wait3A_131 = arith.constant 0 : i32
      %dma_wait3A_132 = tpu.memref_slice %arg3[%mul3A_2, %dma_wait3A_131] : memref<1000000x32xf32, #tpu.memory_space<hbm>> -> memref<625x32xf32, #tpu.memory_space<hbm>>
      tpu.wait_dma2 semaphore(%arg15 : memref<!tpu.dma_semaphore, #tpu.memory_space<semaphore_mem>>) src(%dma_wait3A_132 : memref<625x32xf32, #tpu.memory_space<hbm>>) dst(%arg5 : memref<625x32xf32, #tpu.memory_space<vmem>>)
      %scan3A_133 = arith.constant 0 : i32
      %scan3A_134 = arith.constant 624 : i32
      %scan3A_135 = arith.addi %scan3A_133, %scan3A_134 : i32
      %scan3A_136 = arith.constant 8 : i32
      %scan3A_137:2 = scf.for %scan3A_171 = %scan3A_133 to %scan3A_135 step %scan3A_136 iter_args(%scan3A_172 = %scan3A_117, %scan3A_173 = %scan3A_118) -> (vector<16xf32>, vector<16xf32>)  : i32 {
        %get3A_174 = arith.index_cast %scan3A_171 : i32 to index
        %get3A_175 = arith.constant 0 : index
        %get3A_176 = tpu.vector_load %arg5[%get3A_174, %get3A_175] {strides = array<i32>} : memref<625x32xf32, #tpu.memory_space<vmem>>, vector<16xf32>,
        %add3A_177 = arith.addf %scan3A_172, %get3A_176 : vector<16xf32>
        %get3A_178 = arith.index_cast %scan3A_171 : i32 to index
        %get3A_179 = arith.constant 16 : index
        %get3A_180 = tpu.vector_load %arg5[%get3A_178, %get3A_179] {strides = array<i32>} : memref<625x32xf32, #tpu.memory_space<vmem>>, vector<16xf32>,
        %add3A_181 = arith.addf %scan3A_173, %get3A_180 : vector<16xf32>
        %scan3A_182 = arith.constant 1 : i32
        %scan3A_183 = arith.addi %scan3A_171, %scan3A_182 : i32
        %get3A_184 = arith.index_cast %scan3A_183 : i32 to index
        %get3A_185 = arith.constant 0 : index
        %get3A_186 = tpu.vector_load %arg5[%get3A_184, %get3A_185] {strides = array<i32>} : memref<625x32xf32, #tpu.memory_space<vmem>>, vector<16xf32>,
        %add3A_187 = arith.addf %add3A_177, %get3A_186 : vector<16xf32>
        %get3A_188 = arith.index_cast %scan3A_183 : i32 to index
        %get3A_189 = arith.constant 16 : index
        %get3A_190 = tpu.vector_load %arg5[%get3A_188, %get3A_189] {strides = array<i32>} : memref<625x32xf32, #tpu.memory_space<vmem>>, vector<16xf32>,
        %add3A_191 = arith.addf %add3A_181, %get3A_190 : vector<16xf32>
        %scan3A_192 = arith.constant 2 : i32
        %scan3A_193 = arith.addi %scan3A_171, %scan3A_192 : i32
        %get3A_194 = arith.index_cast %scan3A_193 : i32 to index
        %get3A_195 = arith.constant 0 : index
        %get3A_196 = tpu.vector_load %arg5[%get3A_194, %get3A_195] {strides = array<i32>} : memref<625x32xf32, #tpu.memory_space<vmem>>, vector<16xf32>,
        %add3A_197 = arith.addf %add3A_187, %get3A_196 : vector<16xf32>
        %get3A_198 = arith.index_cast %scan3A_193 : i32 to index
        %get3A_199 = arith.constant 16 : index
        %get3A_200 = tpu.vector_load %arg5[%get3A_198, %get3A_199] {strides = array<i32>} : memref<625x32xf32, #tpu.memory_space<vmem>>, vector<16xf32>,
        %add3A_201 = arith.addf %add3A_191, %get3A_200 : vector<16xf32>
        %scan3A_202 = arith.constant 3 : i32
        %scan3A_203 = arith.addi %scan3A_171, %scan3A_202 : i32
        %get3A_204 = arith.index_cast %scan3A_203 : i32 to index
        %get3A_205 = arith.constant 0 : index
        %get3A_206 = tpu.vector_load %arg5[%get3A_204, %get3A_205] {strides = array<i32>} : memref<625x32xf32, #tpu.memory_space<vmem>>, vector<16xf32>,
        %add3A_207 = arith.addf %add3A_197, %get3A_206 : vector<16xf32>
        %get3A_208 = arith.index_cast %scan3A_203 : i32 to index
        %get3A_209 = arith.constant 16 : index
        %get3A_210 = tpu.vector_load %arg5[%get3A_208, %get3A_209] {strides = array<i32>} : memref<625x32xf32, #tpu.memory_space<vmem>>, vector<16xf32>,
        %add3A_211 = arith.addf %add3A_201, %get3A_210 : vector<16xf32>
        %scan3A_212 = arith.constant 4 : i32
        %scan3A_213 = arith.addi %scan3A_171, %scan3A_212 : i32
        %get3A_214 = arith.index_cast %scan3A_213 : i32 to index
        %get3A_215 = arith.constant 0 : index
        %get3A_216 = tpu.vector_load %arg5[%get3A_214, %get3A_215] {strides = array<i32>} : memref<625x32xf32, #tpu.memory_space<vmem>>, vector<16xf32>,
        %add3A_217 = arith.addf %add3A_207, %get3A_216 : vector<16xf32>
        %get3A_218 = arith.index_cast %scan3A_213 : i32 to index
        %get3A_219 = arith.constant 16 : index
        %get3A_220 = tpu.vector_load %arg5[%get3A_218, %get3A_219] {strides = array<i32>} : memref<625x32xf32, #tpu.memory_space<vmem>>, vector<16xf32>,
        %add3A_221 = arith.addf %add3A_211, %get3A_220 : vector<16xf32>
        %scan3A_222 = arith.constant 5 : i32
        %scan3A_223 = arith.addi %scan3A_171, %scan3A_222 : i32
        %get3A_224 = arith.index_cast %scan3A_223 : i32 to index
        %get3A_225 = arith.constant 0 : index
        %get3A_226 = tpu.vector_load %arg5[%get3A_224, %get3A_225] {strides = array<i32>} : memref<625x32xf32, #tpu.memory_space<vmem>>, vector<16xf32>,
        %add3A_227 = arith.addf %add3A_217, %get3A_226 : vector<16xf32>
        %get3A_228 = arith.index_cast %scan3A_223 : i32 to index
        %get3A_229 = arith.constant 16 : index
        %get3A_230 = tpu.vector_load %arg5[%get3A_228, %get3A_229] {strides = array<i32>} : memref<625x32xf32, #tpu.memory_space<vmem>>, vector<16xf32>,
        %add3A_231 = arith.addf %add3A_221, %get3A_230 : vector<16xf32>
        %scan3A_232 = arith.constant 6 : i32
        %scan3A_233 = arith.addi %scan3A_171, %scan3A_232 : i32
        %get3A_234 = arith.index_cast %scan3A_233 : i32 to index
        %get3A_235 = arith.constant 0 : index
        %get3A_236 = tpu.vector_load %arg5[%get3A_234, %get3A_235] {strides = array<i32>} : memref<625x32xf32, #tpu.memory_space<vmem>>, vector<16xf32>,
        %add3A_237 = arith.addf %add3A_227, %get3A_236 : vector<16xf32>
        %get3A_238 = arith.index_cast %scan3A_233 : i32 to index
        %get3A_239 = arith.constant 16 : index
        %get3A_240 = tpu.vector_load %arg5[%get3A_238, %get3A_239] {strides = array<i32>} : memref<625x32xf32, #tpu.memory_space<vmem>>, vector<16xf32>,
        %add3A_241 = arith.addf %add3A_231, %get3A_240 : vector<16xf32>
        %scan3A_242 = arith.constant 7 : i32
        %scan3A_243 = arith.addi %scan3A_171, %scan3A_242 : i32
        %get3A_244 = arith.index_cast %scan3A_243 : i32 to index
        %get3A_245 = arith.constant 0 : index
        %get3A_246 = tpu.vector_load %arg5[%get3A_244, %get3A_245] {strides = array<i32>} : memref<625x32xf32, #tpu.memory_space<vmem>>, vector<16xf32>,
        %add3A_247 = arith.addf %add3A_237, %get3A_246 : vector<16xf32>
        %get3A_248 = arith.index_cast %scan3A_243 : i32 to index
        %get3A_249 = arith.constant 16 : index
        %get3A_250 = tpu.vector_load %arg5[%get3A_248, %get3A_249] {strides = array<i32>} : memref<625x32xf32, #tpu.memory_space<vmem>>, vector<16xf32>,
        %add3A_251 = arith.addf %add3A_241, %get3A_250 : vector<16xf32>
        scf.yield %add3A_247, %add3A_251 : vector<16xf32>, vector<16xf32>
      }
      %scan3A_138 = arith.constant 624 : i32
      %scan3A_139 = arith.addi %scan3A_133, %scan3A_138 : i32
      %get3A = arith.index_cast %scan3A_139 : i32 to index
      %get3A_140 = arith.constant 0 : index
      %get3A_141 = tpu.vector_load %arg5[%get3A, %get3A_140] {strides = array<i32>} : memref<625x32xf32, #tpu.memory_space<vmem>>, vector<16xf32>,
      %add3A_142 = arith.addf %scan3A_137#0, %get3A_141 : vector<16xf32>
      %get3A_143 = arith.index_cast %scan3A_139 : i32 to index
      %get3A_144 = arith.constant 16 : index
      %get3A_145 = tpu.vector_load %arg5[%get3A_143, %get3A_144] {strides = array<i32>} : memref<625x32xf32, #tpu.memory_space<vmem>>, vector<16xf32>,
      %add3A_146 = arith.addf %scan3A_137#1, %get3A_145 : vector<16xf32>
      %scan3A_147 = arith.constant 625 : i32
      %lt3A_148 = arith.constant 49 : i32
      %lt3A_149 = arith.cmpi slt, %scan3A_116, %lt3A_148 : i32
      %convert_element_type3A = arith.extui %lt3A_149 : i1 to i32
      %cond3A = arith.constant 0 : i32
      %cond3A_150 = arith.cmpi ne, %convert_element_type3A, %cond3A : i32
      scf.if %cond3A_150 {
        %mul3A_171 = arith.constant 2 : i32
        %mul3A_172 = arith.muli %mul3A_171, %scan3A_116 : i32
        %add3A_173 = arith.constant 2 : i32
        %add3A_174 = arith.addi %mul3A_172, %add3A_173 : i32
        %mul3A_175 = arith.constant 625 : i32
        %mul3A_176 = arith.muli %add3A_174, %mul3A_175 : i32
        %add3A_177 = arith.addi %mul3A_2, %mul3A_176 : i32
        %dma_start3A_178 = arith.constant 0 : i32
        %dma_start3A_179 = tpu.memref_slice %arg3[%add3A_177, %dma_start3A_178] : memref<1000000x32xf32, #tpu.memory_space<hbm>> -> memref<625x32xf32, #tpu.memory_space<hbm>>
        %dma_start3A_180 = arith.constant 0 : i32
        %dma_start3A_181 = tpu.memref_slice %arg3[%add3A_177, %dma_start3A_180] : memref<1000000x32xf32, #tpu.memory_space<hbm>> -> memref<625x32xf32, #tpu.memory_space<hbm>>
        tpu.enqueue_dma source(%dma_start3A_181 : memref<625x32xf32, #tpu.memory_space<hbm>>) target(%arg5 : memref<625x32xf32, #tpu.memory_space<vmem>>) target_semaphore(%arg15 : memref<!tpu.dma_semaphore, #tpu.memory_space<semaphore_mem>>)
      } else {
      }
      %dma_wait3A_151 = arith.constant 0 : i32
      %dma_wait3A_152 = tpu.memref_slice %arg3[%mul3A_2, %dma_wait3A_151] : memref<1000000x32xf32, #tpu.memory_space<hbm>> -> memref<625x32xf32, #tpu.memory_space<hbm>>
      %dma_wait3A_153 = arith.constant 0 : i32
      %dma_wait3A_154 = tpu.memref_slice %arg3[%mul3A_2, %dma_wait3A_153] : memref<1000000x32xf32, #tpu.memory_space<hbm>> -> memref<625x32xf32, #tpu.memory_space<hbm>>
      tpu.wait_dma2 semaphore(%arg15 : memref<!tpu.dma_semaphore, #tpu.memory_space<semaphore_mem>>) src(%dma_wait3A_154 : memref<625x32xf32, #tpu.memory_space<hbm>>) dst(%arg6 : memref<625x32xf32, #tpu.memory_space<vmem>>)
      %scan3A_155 = arith.constant 0 : i32
      %scan3A_156 = arith.constant 624 : i32
      %scan3A_157 = arith.addi %scan3A_155, %scan3A_156 : i32
      %scan3A_158 = arith.constant 8 : i32
      %scan3A_159:2 = scf.for %scan3A_171 = %scan3A_155 to %scan3A_157 step %scan3A_158 iter_args(%scan3A_172 = %add3A_142, %scan3A_173 = %add3A_146) -> (vector<16xf32>, vector<16xf32>)  : i32 {
        %get3A_174 = arith.index_cast %scan3A_171 : i32 to index
        %get3A_175 = arith.constant 0 : index
        %get3A_176 = tpu.vector_load %arg6[%get3A_174, %get3A_175] {strides = array<i32>} : memref<625x32xf32, #tpu.memory_space<vmem>>, vector<16xf32>,
        %add3A_177 = arith.addf %scan3A_172, %get3A_176 : vector<16xf32>
        %get3A_178 = arith.index_cast %scan3A_171 : i32 to index
        %get3A_179 = arith.constant 16 : index
        %get3A_180 = tpu.vector_load %arg6[%get3A_178, %get3A_179] {strides = array<i32>} : memref<625x32xf32, #tpu.memory_space<vmem>>, vector<16xf32>,
        %add3A_181 = arith.addf %scan3A_173, %get3A_180 : vector<16xf32>
        %scan3A_182 = arith.constant 1 : i32
        %scan3A_183 = arith.addi %scan3A_171, %scan3A_182 : i32
        %get3A_184 = arith.index_cast %scan3A_183 : i32 to index
        %get3A_185 = arith.constant 0 : index
        %get3A_186 = tpu.vector_load %arg6[%get3A_184, %get3A_185] {strides = array<i32>} : memref<625x32xf32, #tpu.memory_space<vmem>>, vector<16xf32>,
        %add3A_187 = arith.addf %add3A_177, %get3A_186 : vector<16xf32>
        %get3A_188 = arith.index_cast %scan3A_183 : i32 to index
        %get3A_189 = arith.constant 16 : index
        %get3A_190 = tpu.vector_load %arg6[%get3A_188, %get3A_189] {strides = array<i32>} : memref<625x32xf32, #tpu.memory_space<vmem>>, vector<16xf32>,
        %add3A_191 = arith.addf %add3A_181, %get3A_190 : vector<16xf32>
        %scan3A_192 = arith.constant 2 : i32
        %scan3A_193 = arith.addi %scan3A_171, %scan3A_192 : i32
        %get3A_194 = arith.index_cast %scan3A_193 : i32 to index
        %get3A_195 = arith.constant 0 : index
        %get3A_196 = tpu.vector_load %arg6[%get3A_194, %get3A_195] {strides = array<i32>} : memref<625x32xf32, #tpu.memory_space<vmem>>, vector<16xf32>,
        %add3A_197 = arith.addf %add3A_187, %get3A_196 : vector<16xf32>
        %get3A_198 = arith.index_cast %scan3A_193 : i32 to index
        %get3A_199 = arith.constant 16 : index
        %get3A_200 = tpu.vector_load %arg6[%get3A_198, %get3A_199] {strides = array<i32>} : memref<625x32xf32, #tpu.memory_space<vmem>>, vector<16xf32>,
        %add3A_201 = arith.addf %add3A_191, %get3A_200 : vector<16xf32>
        %scan3A_202 = arith.constant 3 : i32
        %scan3A_203 = arith.addi %scan3A_171, %scan3A_202 : i32
        %get3A_204 = arith.index_cast %scan3A_203 : i32 to index
        %get3A_205 = arith.constant 0 : index
        %get3A_206 = tpu.vector_load %arg6[%get3A_204, %get3A_205] {strides = array<i32>} : memref<625x32xf32, #tpu.memory_space<vmem>>, vector<16xf32>,
        %add3A_207 = arith.addf %add3A_197, %get3A_206 : vector<16xf32>
        %get3A_208 = arith.index_cast %scan3A_203 : i32 to index
        %get3A_209 = arith.constant 16 : index
        %get3A_210 = tpu.vector_load %arg6[%get3A_208, %get3A_209] {strides = array<i32>} : memref<625x32xf32, #tpu.memory_space<vmem>>, vector<16xf32>,
        %add3A_211 = arith.addf %add3A_201, %get3A_210 : vector<16xf32>
        %scan3A_212 = arith.constant 4 : i32
        %scan3A_213 = arith.addi %scan3A_171, %scan3A_212 : i32
        %get3A_214 = arith.index_cast %scan3A_213 : i32 to index
        %get3A_215 = arith.constant 0 : index
        %get3A_216 = tpu.vector_load %arg6[%get3A_214, %get3A_215] {strides = array<i32>} : memref<625x32xf32, #tpu.memory_space<vmem>>, vector<16xf32>,
        %add3A_217 = arith.addf %add3A_207, %get3A_216 : vector<16xf32>
        %get3A_218 = arith.index_cast %scan3A_213 : i32 to index
        %get3A_219 = arith.constant 16 : index
        %get3A_220 = tpu.vector_load %arg6[%get3A_218, %get3A_219] {strides = array<i32>} : memref<625x32xf32, #tpu.memory_space<vmem>>, vector<16xf32>,
        %add3A_221 = arith.addf %add3A_211, %get3A_220 : vector<16xf32>
        %scan3A_222 = arith.constant 5 : i32
        %scan3A_223 = arith.addi %scan3A_171, %scan3A_222 : i32
        %get3A_224 = arith.index_cast %scan3A_223 : i32 to index
        %get3A_225 = arith.constant 0 : index
        %get3A_226 = tpu.vector_load %arg6[%get3A_224, %get3A_225] {strides = array<i32>} : memref<625x32xf32, #tpu.memory_space<vmem>>, vector<16xf32>,
        %add3A_227 = arith.addf %add3A_217, %get3A_226 : vector<16xf32>
        %get3A_228 = arith.index_cast %scan3A_223 : i32 to index
        %get3A_229 = arith.constant 16 : index
        %get3A_230 = tpu.vector_load %arg6[%get3A_228, %get3A_229] {strides = array<i32>} : memref<625x32xf32, #tpu.memory_space<vmem>>, vector<16xf32>,
        %add3A_231 = arith.addf %add3A_221, %get3A_230 : vector<16xf32>
        %scan3A_232 = arith.constant 6 : i32
        %scan3A_233 = arith.addi %scan3A_171, %scan3A_232 : i32
        %get3A_234 = arith.index_cast %scan3A_233 : i32 to index
        %get3A_235 = arith.constant 0 : index
        %get3A_236 = tpu.vector_load %arg6[%get3A_234, %get3A_235] {strides = array<i32>} : memref<625x32xf32, #tpu.memory_space<vmem>>, vector<16xf32>,
        %add3A_237 = arith.addf %add3A_227, %get3A_236 : vector<16xf32>
        %get3A_238 = arith.index_cast %scan3A_233 : i32 to index
        %get3A_239 = arith.constant 16 : index
        %get3A_240 = tpu.vector_load %arg6[%get3A_238, %get3A_239] {strides = array<i32>} : memref<625x32xf32, #tpu.memory_space<vmem>>, vector<16xf32>,
        %add3A_241 = arith.addf %add3A_231, %get3A_240 : vector<16xf32>
        %scan3A_242 = arith.constant 7 : i32
        %scan3A_243 = arith.addi %scan3A_171, %scan3A_242 : i32
        %get3A_244 = arith.index_cast %scan3A_243 : i32 to index
        %get3A_245 = arith.constant 0 : index
        %get3A_246 = tpu.vector_load %arg6[%get3A_244, %get3A_245] {strides = array<i32>} : memref<625x32xf32, #tpu.memory_space<vmem>>, vector<16xf32>,
        %add3A_247 = arith.addf %add3A_237, %get3A_246 : vector<16xf32>
        %get3A_248 = arith.index_cast %scan3A_243 : i32 to index
        %get3A_249 = arith.constant 16 : index
        %get3A_250 = tpu.vector_load %arg6[%get3A_248, %get3A_249] {strides = array<i32>} : memref<625x32xf32, #tpu.memory_space<vmem>>, vector<16xf32>,
        %add3A_251 = arith.addf %add3A_241, %get3A_250 : vector<16xf32>
        scf.yield %add3A_247, %add3A_251 : vector<16xf32>, vector<16xf32>
      }
      %scan3A_160 = arith.constant 624 : i32
      %scan3A_161 = arith.addi %scan3A_155, %scan3A_160 : i32
      %get3A_162 = arith.index_cast %scan3A_161 : i32 to index
      %get3A_163 = arith.constant 0 : index
      %get3A_164 = tpu.vector_load %arg6[%get3A_162, %get3A_163] {strides = array<i32>} : memref<625x32xf32, #tpu.memory_space<vmem>>, vector<16xf32>,
      %add3A_165 = arith.addf %scan3A_159#0, %get3A_164 : vector<16xf32>
      %get3A_166 = arith.index_cast %scan3A_161 : i32 to index
      %get3A_167 = arith.constant 16 : index
      %get3A_168 = tpu.vector_load %arg6[%get3A_166, %get3A_167] {strides = array<i32>} : memref<625x32xf32, #tpu.memory_space<vmem>>, vector<16xf32>,
      %add3A_169 = arith.addf %scan3A_159#1, %get3A_168 : vector<16xf32>
      %scan3A_170 = arith.constant 625 : i32
      scf.yield %add3A_165, %add3A_169 : vector<16xf32>, vector<16xf32>
    }
    %scan3A_11 = arith.constant 50 : i32
    %swap3A = arith.constant 0 : index
    %swap3A_12 = tpu.vector_load %arg7[%swap3A] {strides = array<i32>} : memref<32xf32, #tpu.memory_space<vmem>>, vector<16xf32>,
    tpu.vector_store %arg7[%swap3A], %scan3A_10#0 {strides = array<i32>} : memref<32xf32, #tpu.memory_space<vmem>>, vector<16xf32>,
    %swap3A_13 = arith.constant 16 : index
    %swap3A_14 = tpu.vector_load %arg7[%swap3A_13] {strides = array<i32>} : memref<32xf32, #tpu.memory_space<vmem>>, vector<16xf32>,
    tpu.vector_store %arg7[%swap3A_13], %scan3A_10#1 {strides = array<i32>} : memref<32xf32, #tpu.memory_space<vmem>>, vector<16xf32>,
    "tpu.region"() ({
      %run_scoped3A = tpu.sem_alloc : memref<!tpu.dma_semaphore, #tpu.memory_space<semaphore_mem>>
      %dma_start3A_116 = arith.constant 0 : i32
      %dma_start3A_117 = tpu.memref_slice %arg9[%arg1, %dma_start3A_116] : memref<16x32xf32, #tpu.memory_space<vmem_shared>> -> memref<1x32xf32, #tpu.memory_space<vmem_shared>>
      %dma_start3A_118 = tpu.memref_squeeze %dma_start3A_117 : memref<1x32xf32, #tpu.memory_space<vmem_shared>> -> memref<32xf32, #tpu.memory_space<vmem_shared>>
      %dma_start3A_119 = arith.constant 0 : i32
      %dma_start3A_120 = tpu.memref_slice %arg9[%arg1, %dma_start3A_119] : memref<16x32xf32, #tpu.memory_space<vmem_shared>> -> memref<1x32xf32, #tpu.memory_space<vmem_shared>>
      %dma_start3A_121 = tpu.memref_squeeze %dma_start3A_120 : memref<1x32xf32, #tpu.memory_space<vmem_shared>> -> memref<32xf32, #tpu.memory_space<vmem_shared>>
      tpu.enqueue_dma source(%arg7 : memref<32xf32, #tpu.memory_space<vmem>>) target(%dma_start3A_121 : memref<32xf32, #tpu.memory_space<vmem_shared>>) target_semaphore(%run_scoped3A : memref<!tpu.dma_semaphore, #tpu.memory_space<semaphore_mem>>)
      %dma_wait3A = arith.constant 0 : i32
      %dma_wait3A_122 = tpu.memref_slice %arg9[%arg1, %dma_wait3A] : memref<16x32xf32, #tpu.memory_space<vmem_shared>> -> memref<1x32xf32, #tpu.memory_space<vmem_shared>>
      %dma_wait3A_123 = tpu.memref_squeeze %dma_wait3A_122 : memref<1x32xf32, #tpu.memory_space<vmem_shared>> -> memref<32xf32, #tpu.memory_space<vmem_shared>>
      %dma_wait3A_124 = arith.constant 0 : i32
      %dma_wait3A_125 = tpu.memref_slice %arg9[%arg1, %dma_wait3A_124] : memref<16x32xf32, #tpu.memory_space<vmem_shared>> -> memref<1x32xf32, #tpu.memory_space<vmem_shared>>
      %dma_wait3A_126 = tpu.memref_squeeze %dma_wait3A_125 : memref<1x32xf32, #tpu.memory_space<vmem_shared>> -> memref<32xf32, #tpu.memory_space<vmem_shared>>
      tpu.wait_dma2 semaphore(%run_scoped3A : memref<!tpu.dma_semaphore, #tpu.memory_space<semaphore_mem>>) src(%arg7 : memref<32xf32, #tpu.memory_space<vmem>>) dst(%dma_wait3A_126 : memref<32xf32, #tpu.memory_space<vmem_shared>>)
      tpu.yield
    }) : () -> ()
    %barrier3A = arith.constant 0 : index
    tpu.barrier barrier_id(%barrier3A)
    "tpu.region"() ({
      %run_scoped3A = tpu.sem_alloc : memref<!tpu.dma_semaphore, #tpu.memory_space<semaphore_mem>>
      tpu.enqueue_dma source(%arg9 : memref<16x32xf32, #tpu.memory_space<vmem_shared>>) target(%arg8 : memref<16x32xf32, #tpu.memory_space<vmem>>) target_semaphore(%run_scoped3A : memref<!tpu.dma_semaphore, #tpu.memory_space<semaphore_mem>>)
      tpu.wait_dma2 semaphore(%run_scoped3A : memref<!tpu.dma_semaphore, #tpu.memory_space<semaphore_mem>>) src(%arg9 : memref<16x32xf32, #tpu.memory_space<vmem_shared>>) dst(%arg8 : memref<16x32xf32, #tpu.memory_space<vmem>>)
      tpu.yield
    }) : () -> ()
    %scan3A_15 = arith.constant 0 : i32
    %scan3A_16 = arith.constant 16 : i32
    %scan3A_17 = arith.addi %scan3A_15, %scan3A_16 : i32
    %scan3A_18 = arith.constant 4 : i32
    %scan3A_19:2 = scf.for %scan3A_116 = %scan3A_15 to %scan3A_17 step %scan3A_18 iter_args(%scan3A_117 = %broadcast_in_dim3A_6, %scan3A_118 = %broadcast_in_dim3A_6) -> (vector<16xf32>, vector<16xf32>)  : i32 {
      %get3A = arith.index_cast %scan3A_116 : i32 to index
      %get3A_119 = arith.constant 0 : index
      %get3A_120 = tpu.vector_load %arg8[%get3A, %get3A_119] {strides = array<i32>} : memref<16x32xf32, #tpu.memory_space<vmem>>, vector<16xf32>,
      %add3A_121 = arith.addf %scan3A_117, %get3A_120 : vector<16xf32>
      %get3A_122 = arith.index_cast %scan3A_116 : i32 to index
      %get3A_123 = arith.constant 16 : index
      %get3A_124 = tpu.vector_load %arg8[%get3A_122, %get3A_123] {strides = array<i32>} : memref<16x32xf32, #tpu.memory_space<vmem>>, vector<16xf32>,
      %add3A_125 = arith.addf %scan3A_118, %get3A_124 : vector<16xf32>
      %scan3A_126 = arith.constant 1 : i32
      %scan3A_127 = arith.addi %scan3A_116, %scan3A_126 : i32
      %get3A_128 = arith.index_cast %scan3A_127 : i32 to index
      %get3A_129 = arith.constant 0 : index
      %get3A_130 = tpu.vector_load %arg8[%get3A_128, %get3A_129] {strides = array<i32>} : memref<16x32xf32, #tpu.memory_space<vmem>>, vector<16xf32>,
      %add3A_131 = arith.addf %add3A_121, %get3A_130 : vector<16xf32>
      %get3A_132 = arith.index_cast %scan3A_127 : i32 to index
      %get3A_133 = arith.constant 16 : index
      %get3A_134 = tpu.vector_load %arg8[%get3A_132, %get3A_133] {strides = array<i32>} : memref<16x32xf32, #tpu.memory_space<vmem>>, vector<16xf32>,
      %add3A_135 = arith.addf %add3A_125, %get3A_134 : vector<16xf32>
      %scan3A_136 = arith.constant 2 : i32
      %scan3A_137 = arith.addi %scan3A_116, %scan3A_136 : i32
      %get3A_138 = arith.index_cast %scan3A_137 : i32 to index
      %get3A_139 = arith.constant 0 : index
      %get3A_140 = tpu.vector_load %arg8[%get3A_138, %get3A_139] {strides = array<i32>} : memref<16x32xf32, #tpu.memory_space<vmem>>, vector<16xf32>,
      %add3A_141 = arith.addf %add3A_131, %get3A_140 : vector<16xf32>
      %get3A_142 = arith.index_cast %scan3A_137 : i32 to index
      %get3A_143 = arith.constant 16 : index
      %get3A_144 = tpu.vector_load %arg8[%get3A_142, %get3A_143] {strides = array<i32>} : memref<16x32xf32, #tpu.memory_space<vmem>>, vector<16xf32>,
      %add3A_145 = arith.addf %add3A_135, %get3A_144 : vector<16xf32>
      %scan3A_146 = arith.constant 3 : i32
      %scan3A_147 = arith.addi %scan3A_116, %scan3A_146 : i32
      %get3A_148 = arith.index_cast %scan3A_147 : i32 to index
      %get3A_149 = arith.constant 0 : index
      %get3A_150 = tpu.vector_load %arg8[%get3A_148, %get3A_149] {strides = array<i32>} : memref<16x32xf32, #tpu.memory_space<vmem>>, vector<16xf32>,
      %add3A_151 = arith.addf %add3A_141, %get3A_150 : vector<16xf32>
      %get3A_152 = arith.index_cast %scan3A_147 : i32 to index
      %get3A_153 = arith.constant 16 : index
      %get3A_154 = tpu.vector_load %arg8[%get3A_152, %get3A_153] {strides = array<i32>} : memref<16x32xf32, #tpu.memory_space<vmem>>, vector<16xf32>,
      %add3A_155 = arith.addf %add3A_145, %get3A_154 : vector<16xf32>
      scf.yield %add3A_151, %add3A_155 : vector<16xf32>, vector<16xf32>
    }
    %scan3A_20 = arith.constant 16 : i32
    %mul3A_21 = arith.constant -9.99999997E-7 : f32
    %mul3A_22 = vector.broadcast %mul3A_21 : f32 to vector<16xf32>
    %mul3A_23 = arith.mulf %scan3A_19#0, %mul3A_22 : vector<16xf32>
    %mul3A_24 = arith.constant -9.99999997E-7 : f32
    %mul3A_25 = vector.broadcast %mul3A_24 : f32 to vector<16xf32>
    %mul3A_26 = arith.mulf %scan3A_19#1, %mul3A_25 : vector<16xf32>
    %iota3A = tpu.iota {dimensions = array<i32: 0>} : vector<16xi32>
    %mul3A_27 = arith.constant 18 : i32
    %mul3A_28 = arith.muli %add3A, %mul3A_27 : i32
    %add3A_29 = arith.constant -32 : i32
    %add3A_30 = arith.addi %mul3A_28, %add3A_29 : i32
    %jit3A = arith.constant 32 : i32
    %div3A = arith.divsi %add3A_30, %jit3A : i32
    %sign3A = arith.constant 0 : i32
    %sign3A_31 = arith.cmpi sgt, %add3A_30, %sign3A : i32
    %sign3A_32 = arith.extui %sign3A_31 : i1 to i32
    %sign3A_33 = arith.constant 0 : i32
    %sign3A_34 = arith.cmpi slt, %add3A_30, %sign3A_33 : i32
    %sign3A_35 = arith.extui %sign3A_34 : i1 to i32
    %sign3A_36 = arith.subi %sign3A_32, %sign3A_35 : i32
    %sign3A_37 = arith.constant 0 : i32
    %sign3A_38 = arith.cmpi sgt, %jit3A, %sign3A_37 : i32
    %sign3A_39 = arith.extui %sign3A_38 : i1 to i32
    %sign3A_40 = arith.constant 0 : i32
    %sign3A_41 = arith.cmpi slt, %jit3A, %sign3A_40 : i32
    %sign3A_42 = arith.extui %sign3A_41 : i1 to i32
    %sign3A_43 = arith.subi %sign3A_39, %sign3A_42 : i32
    %ne3A = arith.cmpi ne, %sign3A_36, %sign3A_43 : i32
    %rem3A = arith.remsi %add3A_30, %jit3A : i32
    %ne3A_44 = arith.constant 0 : i32
    %ne3A_45 = arith.cmpi ne, %rem3A, %ne3A_44 : i32
    %and3A = arith.andi %ne3A, %ne3A_45 : i1
    %sub3A = arith.constant 1 : i32
    %sub3A_46 = arith.subi %div3A, %sub3A : i32
    %select_n3A = arith.select %and3A, %sub3A_46, %div3A : i32
    %add3A_47 = arith.constant 32 : i32
    %add3A_48 = arith.addi %add3A_47, %select_n3A : i32
    %jit3A_49 = arith.constant true
    %select_n3A_50 = arith.select %jit3A_49, %add3A, %add3A_48 : i32
    %jit3A_51 = arith.constant 32 : i32
    %eq3A = arith.constant 0 : i32
    %eq3A_52 = arith.cmpi eq, %jit3A_51, %eq3A : i32
    %jit3A_53 = arith.constant 1 : i32
    %select_n3A_54 = arith.select %eq3A_52, %jit3A_53, %jit3A_51 : i32
    %rem3A_55 = arith.remsi %add3A_30, %select_n3A_54 : i32
    %ne3A_56 = arith.constant 0 : i32
    %ne3A_57 = arith.cmpi ne, %rem3A_55, %ne3A_56 : i32
    %lt3A = arith.constant 0 : i32
    %lt3A_58 = arith.cmpi slt, %rem3A_55, %lt3A : i32
    %lt3A_59 = arith.constant 0 : i32
    %lt3A_60 = arith.cmpi slt, %select_n3A_54, %lt3A_59 : i32
    %ne3A_61 = arith.xori %lt3A_58, %lt3A_60 : i1
    %and3A_62 = arith.andi %ne3A_61, %ne3A_57 : i1
    %add3A_63 = arith.addi %rem3A_55, %select_n3A_54 : i32
    %select_n3A_64 = arith.select %and3A_62, %add3A_63, %rem3A_55 : i32
    %jit3A_65 = arith.constant true
    %jit3A_66 = arith.constant 0 : i32
    %select_n3A_67 = arith.select %jit3A_65, %jit3A_66, %select_n3A_64 : i32
    %mul3A_68 = arith.constant 4 : i32
    %mul3A_69 = arith.muli %select_n3A_67, %mul3A_68 : i32
    "tpu.region"() ({
      %run_scoped3A = tpu.sem_alloc : memref<!tpu.dma_semaphore, #tpu.memory_space<semaphore_mem>>
      %dma_start3A_116 = arith.constant 0 : i32
      %dma_start3A_117 = tpu.memref_slice %arg2[%select_n3A_50, %mul3A_69, %dma_start3A_116] : memref<50x128x128xi32, #tpu.memory_space<hbm>> -> memref<1x4x128xi32, #tpu.memory_space<hbm>>
      %dma_start3A_118 = tpu.memref_squeeze %dma_start3A_117 : memref<1x4x128xi32, #tpu.memory_space<hbm>> -> memref<4x128xi32, #tpu.memory_space<hbm>>
      %dma_start3A_119 = arith.constant 0 : i32
      %dma_start3A_120 = tpu.memref_slice %arg2[%select_n3A_50, %mul3A_69, %dma_start3A_119] : memref<50x128x128xi32, #tpu.memory_space<hbm>> -> memref<1x4x128xi32, #tpu.memory_space<hbm>>
      %dma_start3A_121 = tpu.memref_squeeze %dma_start3A_120 : memref<1x4x128xi32, #tpu.memory_space<hbm>> -> memref<4x128xi32, #tpu.memory_space<hbm>>
      tpu.enqueue_dma source(%dma_start3A_121 : memref<4x128xi32, #tpu.memory_space<hbm>>) target(%arg10 : memref<4x128xi32, #tpu.memory_space<vmem>>) target_semaphore(%run_scoped3A : memref<!tpu.dma_semaphore, #tpu.memory_space<semaphore_mem>>)
      %dma_wait3A = arith.constant 0 : i32
      %dma_wait3A_122 = tpu.memref_slice %arg2[%select_n3A_50, %mul3A_69, %dma_wait3A] : memref<50x128x128xi32, #tpu.memory_space<hbm>> -> memref<1x4x128xi32, #tpu.memory_space<hbm>>
      %dma_wait3A_123 = tpu.memref_squeeze %dma_wait3A_122 : memref<1x4x128xi32, #tpu.memory_space<hbm>> -> memref<4x128xi32, #tpu.memory_space<hbm>>
      %dma_wait3A_124 = arith.constant 0 : i32
      %dma_wait3A_125 = tpu.memref_slice %arg2[%select_n3A_50, %mul3A_69, %dma_wait3A_124] : memref<50x128x128xi32, #tpu.memory_space<hbm>> -> memref<1x4x128xi32, #tpu.memory_space<hbm>>
      %dma_wait3A_126 = tpu.memref_squeeze %dma_wait3A_125 : memref<1x4x128xi32, #tpu.memory_space<hbm>> -> memref<4x128xi32, #tpu.memory_space<hbm>>
      tpu.wait_dma2 semaphore(%run_scoped3A : memref<!tpu.dma_semaphore, #tpu.memory_space<semaphore_mem>>) src(%dma_wait3A_126 : memref<4x128xi32, #tpu.memory_space<hbm>>) dst(%arg10 : memref<4x128xi32, #tpu.memory_space<vmem>>)
      tpu.yield
    }) : () -> ()
    %dma_start3A_70 = arith.constant 0 : i32
    %dma_start3A_71 = arith.constant 0 : i32
    %dma_start3A_72 = arith.constant 0 : i32
    %dma_start3A_73 = tpu.memref_slice %arg12[%dma_start3A_71, %dma_start3A_72] : memref<512x32xf32, #tpu.memory_space<vmem>> -> memref<128x32xf32, #tpu.memory_space<vmem>>
    %dma_start3A_74 = arith.constant 0 : i32
    %dma_start3A_75 = tpu.memref_slice %arg10[%dma_start3A_70, %dma_start3A_74] : memref<4x128xi32, #tpu.memory_space<vmem>> -> memref<1x128xi32, #tpu.memory_space<vmem>>
    %dma_start3A_76 = tpu.memref_squeeze %dma_start3A_75 : memref<1x128xi32, #tpu.memory_space<vmem>> -> memref<128xi32, #tpu.memory_space<vmem>>
    %dma_start3A_77 = arith.constant 0 : i32
    %dma_start3A_78 = arith.constant 0 : i32
    %dma_start3A_79 = tpu.memref_slice %arg3[%dma_start3A_77, %dma_start3A_78] : memref<1000000x32xf32, #tpu.memory_space<hbm>> -> memref<1000000x32xf32, #tpu.memory_space<hbm>>
    tpu.enqueue_indirect_dma source(%dma_start3A_79 : memref<1000000x32xf32, #tpu.memory_space<hbm>>) target(%dma_start3A_73 : memref<128x32xf32, #tpu.memory_space<vmem>>) offsets(%dma_start3A_76 : memref<128xi32, #tpu.memory_space<vmem>>) semaphore(%arg16 : memref<!tpu.dma_semaphore, #tpu.memory_space<semaphore_mem>>)
    %dma_start3A_80 = arith.constant 1 : i32
    %dma_start3A_81 = arith.constant 128 : i32
    %dma_start3A_82 = arith.constant 0 : i32
    %dma_start3A_83 = tpu.memref_slice %arg12[%dma_start3A_81, %dma_start3A_82] : memref<512x32xf32, #tpu.memory_space<vmem>> -> memref<128x32xf32, #tpu.memory_space<vmem>>
    %dma_start3A_84 = arith.constant 0 : i32
    %dma_start3A_85 = tpu.memref_slice %arg10[%dma_start3A_80, %dma_start3A_84] : memref<4x128xi32, #tpu.memory_space<vmem>> -> memref<1x128xi32, #tpu.memory_space<vmem>>
    %dma_start3A_86 = tpu.memref_squeeze %dma_start3A_85 : memref<1x128xi32, #tpu.memory_space<vmem>> -> memref<128xi32, #tpu.memory_space<vmem>>
    %dma_start3A_87 = arith.constant 0 : i32
    %dma_start3A_88 = arith.constant 0 : i32
    %dma_start3A_89 = tpu.memref_slice %arg3[%dma_start3A_87, %dma_start3A_88] : memref<1000000x32xf32, #tpu.memory_space<hbm>> -> memref<1000000x32xf32, #tpu.memory_space<hbm>>
    tpu.enqueue_indirect_dma source(%dma_start3A_89 : memref<1000000x32xf32, #tpu.memory_space<hbm>>) target(%dma_start3A_83 : memref<128x32xf32, #tpu.memory_space<vmem>>) offsets(%dma_start3A_86 : memref<128xi32, #tpu.memory_space<vmem>>) semaphore(%arg16 : memref<!tpu.dma_semaphore, #tpu.memory_space<semaphore_mem>>)
    %dma_start3A_90 = arith.constant 2 : i32
    %dma_start3A_91 = arith.constant 256 : i32
    %dma_start3A_92 = arith.constant 0 : i32
    %dma_start3A_93 = tpu.memref_slice %arg12[%dma_start3A_91, %dma_start3A_92] : memref<512x32xf32, #tpu.memory_space<vmem>> -> memref<128x32xf32, #tpu.memory_space<vmem>>
    %dma_start3A_94 = arith.constant 0 : i32
    %dma_start3A_95 = tpu.memref_slice %arg10[%dma_start3A_90, %dma_start3A_94] : memref<4x128xi32, #tpu.memory_space<vmem>> -> memref<1x128xi32, #tpu.memory_space<vmem>>
    %dma_start3A_96 = tpu.memref_squeeze %dma_start3A_95 : memref<1x128xi32, #tpu.memory_space<vmem>> -> memref<128xi32, #tpu.memory_space<vmem>>
    %dma_start3A_97 = arith.constant 0 : i32
    %dma_start3A_98 = arith.constant 0 : i32
    %dma_start3A_99 = tpu.memref_slice %arg3[%dma_start3A_97, %dma_start3A_98] : memref<1000000x32xf32, #tpu.memory_space<hbm>> -> memref<1000000x32xf32, #tpu.memory_space<hbm>>
    tpu.enqueue_indirect_dma source(%dma_start3A_99 : memref<1000000x32xf32, #tpu.memory_space<hbm>>) target(%dma_start3A_93 : memref<128x32xf32, #tpu.memory_space<vmem>>) offsets(%dma_start3A_96 : memref<128xi32, #tpu.memory_space<vmem>>) semaphore(%arg16 : memref<!tpu.dma_semaphore, #tpu.memory_space<semaphore_mem>>)
    %dma_start3A_100 = arith.constant 3 : i32
    %dma_start3A_101 = arith.constant 384 : i32
    %dma_start3A_102 = arith.constant 0 : i32
    %dma_start3A_103 = tpu.memref_slice %arg12[%dma_start3A_101, %dma_start3A_102] : memref<512x32xf32, #tpu.memory_space<vmem>> -> memref<128x32xf32, #tpu.memory_space<vmem>>
    %dma_start3A_104 = arith.constant 0 : i32
    %dma_start3A_105 = tpu.memref_slice %arg10[%dma_start3A_100, %dma_start3A_104] : memref<4x128xi32, #tpu.memory_space<vmem>> -> memref<1x128xi32, #tpu.memory_space<vmem>>
    %dma_start3A_106 = tpu.memref_squeeze %dma_start3A_105 : memref<1x128xi32, #tpu.memory_space<vmem>> -> memref<128xi32, #tpu.memory_space<vmem>>
    %dma_start3A_107 = arith.constant 0 : i32
    %dma_start3A_108 = arith.constant 0 : i32
    %dma_start3A_109 = tpu.memref_slice %arg3[%dma_start3A_107, %dma_start3A_108] : memref<1000000x32xf32, #tpu.memory_space<hbm>> -> memref<1000000x32xf32, #tpu.memory_space<hbm>>
    tpu.enqueue_indirect_dma source(%dma_start3A_109 : memref<1000000x32xf32, #tpu.memory_space<hbm>>) target(%dma_start3A_103 : memref<128x32xf32, #tpu.memory_space<vmem>>) offsets(%dma_start3A_106 : memref<128xi32, #tpu.memory_space<vmem>>) semaphore(%arg16 : memref<!tpu.dma_semaphore, #tpu.memory_space<semaphore_mem>>)
    %scan3A_110 = arith.constant 0 : i32
    %scan3A_111 = arith.constant 0 : i32
    %scan3A_112 = arith.constant 25 : i32
    %scan3A_113 = arith.addi %scan3A_111, %scan3A_112 : i32
    %scan3A_114 = arith.constant 1 : i32
    scf.for %scan3A_116 = %scan3A_111 to %scan3A_113 step %scan3A_114  : i32 {
      %mul3A_117 = arith.constant 2 : i32
      %mul3A_118 = arith.muli %mul3A_117, %scan3A_116 : i32
      %add3A_119 = arith.constant 1 : i32
      %add3A_120 = arith.addi %mul3A_118, %add3A_119 : i32
      %mul3A_121 = arith.constant 18 : i32
      %mul3A_122 = arith.muli %add3A, %mul3A_121 : i32
      %sub3A_123 = arith.constant 32 : i32
      %sub3A_124 = arith.subi %add3A_120, %sub3A_123 : i32
      %add3A_125 = arith.addi %mul3A_122, %sub3A_124 : i32
      %lt3A_126 = arith.constant 32 : i32
      %lt3A_127 = arith.cmpi slt, %add3A_120, %lt3A_126 : i32
      %jit3A_128 = arith.constant 32 : i32
      %div3A_129 = arith.divsi %add3A_125, %jit3A_128 : i32
      %sign3A_130 = arith.constant 0 : i32
      %sign3A_131 = arith.cmpi sgt, %add3A_125, %sign3A_130 : i32
      %sign3A_132 = arith.extui %sign3A_131 : i1 to i32
      %sign3A_133 = arith.constant 0 : i32
      %sign3A_134 = arith.cmpi slt, %add3A_125, %sign3A_133 : i32
      %sign3A_135 = arith.extui %sign3A_134 : i1 to i32
      %sign3A_136 = arith.subi %sign3A_132, %sign3A_135 : i32
      %sign3A_137 = arith.constant 0 : i32
      %sign3A_138 = arith.cmpi sgt, %jit3A_128, %sign3A_137 : i32
      %sign3A_139 = arith.extui %sign3A_138 : i1 to i32
      %sign3A_140 = arith.constant 0 : i32
      %sign3A_141 = arith.cmpi slt, %jit3A_128, %sign3A_140 : i32
      %sign3A_142 = arith.extui %sign3A_141 : i1 to i32
      %sign3A_143 = arith.subi %sign3A_139, %sign3A_142 : i32
      %ne3A_144 = arith.cmpi ne, %sign3A_136, %sign3A_143 : i32
      %rem3A_145 = arith.remsi %add3A_125, %jit3A_128 : i32
      %ne3A_146 = arith.constant 0 : i32
      %ne3A_147 = arith.cmpi ne, %rem3A_145, %ne3A_146 : i32
      %and3A_148 = arith.andi %ne3A_144, %ne3A_147 : i1
      %sub3A_149 = arith.constant 1 : i32
      %sub3A_150 = arith.subi %div3A_129, %sub3A_149 : i32
      %select_n3A_151 = arith.select %and3A_148, %sub3A_150, %div3A_129 : i32
      %add3A_152 = arith.constant 32 : i32
      %add3A_153 = arith.addi %add3A_152, %select_n3A_151 : i32
      %select_n3A_154 = arith.select %lt3A_127, %add3A, %add3A_153 : i32
      %lt3A_155 = arith.constant 32 : i32
      %lt3A_156 = arith.cmpi slt, %add3A_120, %lt3A_155 : i32
      %jit3A_157 = arith.constant 32 : i32
      %eq3A_158 = arith.constant 0 : i32
      %eq3A_159 = arith.cmpi eq, %jit3A_157, %eq3A_158 : i32
      %jit3A_160 = arith.constant 1 : i32
      %select_n3A_161 = arith.select %eq3A_159, %jit3A_160, %jit3A_157 : i32
      %rem3A_162 = arith.remsi %add3A_125, %select_n3A_161 : i32
      %ne3A_163 = arith.constant 0 : i32
      %ne3A_164 = arith.cmpi ne, %rem3A_162, %ne3A_163 : i32
      %lt3A_165 = arith.constant 0 : i32
      %lt3A_166 = arith.cmpi slt, %rem3A_162, %lt3A_165 : i32
      %lt3A_167 = arith.constant 0 : i32
      %lt3A_168 = arith.cmpi slt, %select_n3A_161, %lt3A_167 : i32
      %ne3A_169 = arith.xori %lt3A_166, %lt3A_168 : i1
      %and3A_170 = arith.andi %ne3A_169, %ne3A_164 : i1
      %add3A_171 = arith.addi %rem3A_162, %select_n3A_161 : i32
      %select_n3A_172 = arith.select %and3A_170, %add3A_171, %rem3A_162 : i32
      %select_n3A_173 = arith.select %lt3A_156, %add3A_120, %select_n3A_172 : i32
      %mul3A_174 = arith.constant 4 : i32
      %mul3A_175 = arith.muli %select_n3A_173, %mul3A_174 : i32
      "tpu.region"() ({
        %run_scoped3A = tpu.sem_alloc : memref<!tpu.dma_semaphore, #tpu.memory_space<semaphore_mem>>
        %dma_start3A_426 = arith.constant 0 : i32
        %dma_start3A_427 = tpu.memref_slice %arg2[%select_n3A_154, %mul3A_175, %dma_start3A_426] : memref<50x128x128xi32, #tpu.memory_space<hbm>> -> memref<1x4x128xi32, #tpu.memory_space<hbm>>
        %dma_start3A_428 = tpu.memref_squeeze %dma_start3A_427 : memref<1x4x128xi32, #tpu.memory_space<hbm>> -> memref<4x128xi32, #tpu.memory_space<hbm>>
        %dma_start3A_429 = arith.constant 0 : i32
        %dma_start3A_430 = tpu.memref_slice %arg2[%select_n3A_154, %mul3A_175, %dma_start3A_429] : memref<50x128x128xi32, #tpu.memory_space<hbm>> -> memref<1x4x128xi32, #tpu.memory_space<hbm>>
        %dma_start3A_431 = tpu.memref_squeeze %dma_start3A_430 : memref<1x4x128xi32, #tpu.memory_space<hbm>> -> memref<4x128xi32, #tpu.memory_space<hbm>>
        tpu.enqueue_dma source(%dma_start3A_431 : memref<4x128xi32, #tpu.memory_space<hbm>>) target(%arg11 : memref<4x128xi32, #tpu.memory_space<vmem>>) target_semaphore(%run_scoped3A : memref<!tpu.dma_semaphore, #tpu.memory_space<semaphore_mem>>)
        %dma_wait3A_432 = arith.constant 0 : i32
        %dma_wait3A_433 = tpu.memref_slice %arg2[%select_n3A_154, %mul3A_175, %dma_wait3A_432] : memref<50x128x128xi32, #tpu.memory_space<hbm>> -> memref<1x4x128xi32, #tpu.memory_space<hbm>>
        %dma_wait3A_434 = tpu.memref_squeeze %dma_wait3A_433 : memref<1x4x128xi32, #tpu.memory_space<hbm>> -> memref<4x128xi32, #tpu.memory_space<hbm>>
        %dma_wait3A_435 = arith.constant 0 : i32
        %dma_wait3A_436 = tpu.memref_slice %arg2[%select_n3A_154, %mul3A_175, %dma_wait3A_435] : memref<50x128x128xi32, #tpu.memory_space<hbm>> -> memref<1x4x128xi32, #tpu.memory_space<hbm>>
        %dma_wait3A_437 = tpu.memref_squeeze %dma_wait3A_436 : memref<1x4x128xi32, #tpu.memory_space<hbm>> -> memref<4x128xi32, #tpu.memory_space<hbm>>
        tpu.wait_dma2 semaphore(%run_scoped3A : memref<!tpu.dma_semaphore, #tpu.memory_space<semaphore_mem>>) src(%dma_wait3A_437 : memref<4x128xi32, #tpu.memory_space<hbm>>) dst(%arg11 : memref<4x128xi32, #tpu.memory_space<vmem>>)
        tpu.yield
      }) : () -> ()
      %dma_start3A_176 = arith.constant 0 : i32
      %dma_start3A_177 = arith.constant 0 : i32
      %dma_start3A_178 = arith.constant 0 : i32
      %dma_start3A_179 = tpu.memref_slice %arg13[%dma_start3A_177, %dma_start3A_178] : memref<512x32xf32, #tpu.memory_space<vmem>> -> memref<128x32xf32, #tpu.memory_space<vmem>>
      %dma_start3A_180 = arith.constant 0 : i32
      %dma_start3A_181 = tpu.memref_slice %arg11[%dma_start3A_176, %dma_start3A_180] : memref<4x128xi32, #tpu.memory_space<vmem>> -> memref<1x128xi32, #tpu.memory_space<vmem>>
      %dma_start3A_182 = tpu.memref_squeeze %dma_start3A_181 : memref<1x128xi32, #tpu.memory_space<vmem>> -> memref<128xi32, #tpu.memory_space<vmem>>
      %dma_start3A_183 = arith.constant 0 : i32
      %dma_start3A_184 = arith.constant 0 : i32
      %dma_start3A_185 = tpu.memref_slice %arg3[%dma_start3A_183, %dma_start3A_184] : memref<1000000x32xf32, #tpu.memory_space<hbm>> -> memref<1000000x32xf32, #tpu.memory_space<hbm>>
      tpu.enqueue_indirect_dma source(%dma_start3A_185 : memref<1000000x32xf32, #tpu.memory_space<hbm>>) target(%dma_start3A_179 : memref<128x32xf32, #tpu.memory_space<vmem>>) offsets(%dma_start3A_182 : memref<128xi32, #tpu.memory_space<vmem>>) semaphore(%arg16 : memref<!tpu.dma_semaphore, #tpu.memory_space<semaphore_mem>>)
      %dma_start3A_186 = arith.constant 1 : i32
      %dma_start3A_187 = arith.constant 128 : i32
      %dma_start3A_188 = arith.constant 0 : i32
      %dma_start3A_189 = tpu.memref_slice %arg13[%dma_start3A_187, %dma_start3A_188] : memref<512x32xf32, #tpu.memory_space<vmem>> -> memref<128x32xf32, #tpu.memory_space<vmem>>
      %dma_start3A_190 = arith.constant 0 : i32
      %dma_start3A_191 = tpu.memref_slice %arg11[%dma_start3A_186, %dma_start3A_190] : memref<4x128xi32, #tpu.memory_space<vmem>> -> memref<1x128xi32, #tpu.memory_space<vmem>>
      %dma_start3A_192 = tpu.memref_squeeze %dma_start3A_191 : memref<1x128xi32, #tpu.memory_space<vmem>> -> memref<128xi32, #tpu.memory_space<vmem>>
      %dma_start3A_193 = arith.constant 0 : i32
      %dma_start3A_194 = arith.constant 0 : i32
      %dma_start3A_195 = tpu.memref_slice %arg3[%dma_start3A_193, %dma_start3A_194] : memref<1000000x32xf32, #tpu.memory_space<hbm>> -> memref<1000000x32xf32, #tpu.memory_space<hbm>>
      tpu.enqueue_indirect_dma source(%dma_start3A_195 : memref<1000000x32xf32, #tpu.memory_space<hbm>>) target(%dma_start3A_189 : memref<128x32xf32, #tpu.memory_space<vmem>>) offsets(%dma_start3A_192 : memref<128xi32, #tpu.memory_space<vmem>>) semaphore(%arg16 : memref<!tpu.dma_semaphore, #tpu.memory_space<semaphore_mem>>)
      %dma_start3A_196 = arith.constant 2 : i32
      %dma_start3A_197 = arith.constant 256 : i32
      %dma_start3A_198 = arith.constant 0 : i32
      %dma_start3A_199 = tpu.memref_slice %arg13[%dma_start3A_197, %dma_start3A_198] : memref<512x32xf32, #tpu.memory_space<vmem>> -> memref<128x32xf32, #tpu.memory_space<vmem>>
      %dma_start3A_200 = arith.constant 0 : i32
      %dma_start3A_201 = tpu.memref_slice %arg11[%dma_start3A_196, %dma_start3A_200] : memref<4x128xi32, #tpu.memory_space<vmem>> -> memref<1x128xi32, #tpu.memory_space<vmem>>
      %dma_start3A_202 = tpu.memref_squeeze %dma_start3A_201 : memref<1x128xi32, #tpu.memory_space<vmem>> -> memref<128xi32, #tpu.memory_space<vmem>>
      %dma_start3A_203 = arith.constant 0 : i32
      %dma_start3A_204 = arith.constant 0 : i32
      %dma_start3A_205 = tpu.memref_slice %arg3[%dma_start3A_203, %dma_start3A_204] : memref<1000000x32xf32, #tpu.memory_space<hbm>> -> memref<1000000x32xf32, #tpu.memory_space<hbm>>
      tpu.enqueue_indirect_dma source(%dma_start3A_205 : memref<1000000x32xf32, #tpu.memory_space<hbm>>) target(%dma_start3A_199 : memref<128x32xf32, #tpu.memory_space<vmem>>) offsets(%dma_start3A_202 : memref<128xi32, #tpu.memory_space<vmem>>) semaphore(%arg16 : memref<!tpu.dma_semaphore, #tpu.memory_space<semaphore_mem>>)
      %dma_start3A_206 = arith.constant 3 : i32
      %dma_start3A_207 = arith.constant 384 : i32
      %dma_start3A_208 = arith.constant 0 : i32
      %dma_start3A_209 = tpu.memref_slice %arg13[%dma_start3A_207, %dma_start3A_208] : memref<512x32xf32, #tpu.memory_space<vmem>> -> memref<128x32xf32, #tpu.memory_space<vmem>>
      %dma_start3A_210 = arith.constant 0 : i32
      %dma_start3A_211 = tpu.memref_slice %arg11[%dma_start3A_206, %dma_start3A_210] : memref<4x128xi32, #tpu.memory_space<vmem>> -> memref<1x128xi32, #tpu.memory_space<vmem>>
      %dma_start3A_212 = tpu.memref_squeeze %dma_start3A_211 : memref<1x128xi32, #tpu.memory_space<vmem>> -> memref<128xi32, #tpu.memory_space<vmem>>
      %dma_start3A_213 = arith.constant 0 : i32
      %dma_start3A_214 = arith.constant 0 : i32
      %dma_start3A_215 = tpu.memref_slice %arg3[%dma_start3A_213, %dma_start3A_214] : memref<1000000x32xf32, #tpu.memory_space<hbm>> -> memref<1000000x32xf32, #tpu.memory_space<hbm>>
      tpu.enqueue_indirect_dma source(%dma_start3A_215 : memref<1000000x32xf32, #tpu.memory_space<hbm>>) target(%dma_start3A_209 : memref<128x32xf32, #tpu.memory_space<vmem>>) offsets(%dma_start3A_212 : memref<128xi32, #tpu.memory_space<vmem>>) semaphore(%arg16 : memref<!tpu.dma_semaphore, #tpu.memory_space<semaphore_mem>>)
      %dma_wait3A = arith.constant 0 : i32
      %dma_wait3A_216 = arith.constant 0 : i32
      %dma_wait3A_217 = arith.constant 0 : i32
      %dma_wait3A_218 = tpu.memref_slice %arg12[%dma_wait3A_216, %dma_wait3A_217] : memref<512x32xf32, #tpu.memory_space<vmem>> -> memref<128x32xf32, #tpu.memory_space<vmem>>
      %dma_wait3A_219 = arith.constant 0 : i32
      %dma_wait3A_220 = tpu.memref_slice %arg10[%dma_wait3A, %dma_wait3A_219] : memref<4x128xi32, #tpu.memory_space<vmem>> -> memref<1x128xi32, #tpu.memory_space<vmem>>
      %dma_wait3A_221 = tpu.memref_squeeze %dma_wait3A_220 : memref<1x128xi32, #tpu.memory_space<vmem>> -> memref<128xi32, #tpu.memory_space<vmem>>
      %dma_wait3A_222 = arith.constant 0 : i32
      %dma_wait3A_223 = arith.constant 0 : i32
      %dma_wait3A_224 = tpu.memref_slice %arg3[%dma_wait3A_222, %dma_wait3A_223] : memref<1000000x32xf32, #tpu.memory_space<hbm>> -> memref<1000000x32xf32, #tpu.memory_space<hbm>>
      tpu.wait_indirect_dma semaphore(%arg16 : memref<!tpu.dma_semaphore, #tpu.memory_space<semaphore_mem>>) src(%dma_wait3A_224 : memref<1000000x32xf32, #tpu.memory_space<hbm>>) dst(%dma_wait3A_218 : memref<128x32xf32, #tpu.memory_space<vmem>>)
      %dma_wait3A_225 = arith.constant 1 : i32
      %dma_wait3A_226 = arith.constant 128 : i32
      %dma_wait3A_227 = arith.constant 0 : i32
      %dma_wait3A_228 = tpu.memref_slice %arg12[%dma_wait3A_226, %dma_wait3A_227] : memref<512x32xf32, #tpu.memory_space<vmem>> -> memref<128x32xf32, #tpu.memory_space<vmem>>
      %dma_wait3A_229 = arith.constant 0 : i32
      %dma_wait3A_230 = tpu.memref_slice %arg10[%dma_wait3A_225, %dma_wait3A_229] : memref<4x128xi32, #tpu.memory_space<vmem>> -> memref<1x128xi32, #tpu.memory_space<vmem>>
      %dma_wait3A_231 = tpu.memref_squeeze %dma_wait3A_230 : memref<1x128xi32, #tpu.memory_space<vmem>> -> memref<128xi32, #tpu.memory_space<vmem>>
      %dma_wait3A_232 = arith.constant 0 : i32
      %dma_wait3A_233 = arith.constant 0 : i32
      %dma_wait3A_234 = tpu.memref_slice %arg3[%dma_wait3A_232, %dma_wait3A_233] : memref<1000000x32xf32, #tpu.memory_space<hbm>> -> memref<1000000x32xf32, #tpu.memory_space<hbm>>
      tpu.wait_indirect_dma semaphore(%arg16 : memref<!tpu.dma_semaphore, #tpu.memory_space<semaphore_mem>>) src(%dma_wait3A_234 : memref<1000000x32xf32, #tpu.memory_space<hbm>>) dst(%dma_wait3A_228 : memref<128x32xf32, #tpu.memory_space<vmem>>)
      %dma_wait3A_235 = arith.constant 2 : i32
      %dma_wait3A_236 = arith.constant 256 : i32
      %dma_wait3A_237 = arith.constant 0 : i32
      %dma_wait3A_238 = tpu.memref_slice %arg12[%dma_wait3A_236, %dma_wait3A_237] : memref<512x32xf32, #tpu.memory_space<vmem>> -> memref<128x32xf32, #tpu.memory_space<vmem>>
      %dma_wait3A_239 = arith.constant 0 : i32
      %dma_wait3A_240 = tpu.memref_slice %arg10[%dma_wait3A_235, %dma_wait3A_239] : memref<4x128xi32, #tpu.memory_space<vmem>> -> memref<1x128xi32, #tpu.memory_space<vmem>>
      %dma_wait3A_241 = tpu.memref_squeeze %dma_wait3A_240 : memref<1x128xi32, #tpu.memory_space<vmem>> -> memref<128xi32, #tpu.memory_space<vmem>>
      %dma_wait3A_242 = arith.constant 0 : i32
      %dma_wait3A_243 = arith.constant 0 : i32
      %dma_wait3A_244 = tpu.memref_slice %arg3[%dma_wait3A_242, %dma_wait3A_243] : memref<1000000x32xf32, #tpu.memory_space<hbm>> -> memref<1000000x32xf32, #tpu.memory_space<hbm>>
      tpu.wait_indirect_dma semaphore(%arg16 : memref<!tpu.dma_semaphore, #tpu.memory_space<semaphore_mem>>) src(%dma_wait3A_244 : memref<1000000x32xf32, #tpu.memory_space<hbm>>) dst(%dma_wait3A_238 : memref<128x32xf32, #tpu.memory_space<vmem>>)
      %dma_wait3A_245 = arith.constant 3 : i32
      %dma_wait3A_246 = arith.constant 384 : i32
      %dma_wait3A_247 = arith.constant 0 : i32
      %dma_wait3A_248 = tpu.memref_slice %arg12[%dma_wait3A_246, %dma_wait3A_247] : memref<512x32xf32, #tpu.memory_space<vmem>> -> memref<128x32xf32, #tpu.memory_space<vmem>>
      %dma_wait3A_249 = arith.constant 0 : i32
      %dma_wait3A_250 = tpu.memref_slice %arg10[%dma_wait3A_245, %dma_wait3A_249] : memref<4x128xi32, #tpu.memory_space<vmem>> -> memref<1x128xi32, #tpu.memory_space<vmem>>
      %dma_wait3A_251 = tpu.memref_squeeze %dma_wait3A_250 : memref<1x128xi32, #tpu.memory_space<vmem>> -> memref<128xi32, #tpu.memory_space<vmem>>
      %dma_wait3A_252 = arith.constant 0 : i32
      %dma_wait3A_253 = arith.constant 0 : i32
      %dma_wait3A_254 = tpu.memref_slice %arg3[%dma_wait3A_252, %dma_wait3A_253] : memref<1000000x32xf32, #tpu.memory_space<hbm>> -> memref<1000000x32xf32, #tpu.memory_space<hbm>>
      tpu.wait_indirect_dma semaphore(%arg16 : memref<!tpu.dma_semaphore, #tpu.memory_space<semaphore_mem>>) src(%dma_wait3A_254 : memref<1000000x32xf32, #tpu.memory_space<hbm>>) dst(%dma_wait3A_248 : memref<128x32xf32, #tpu.memory_space<vmem>>)
      %broadcast_in_dim3A_255 = arith.constant 0 : i32
      %broadcast_in_dim3A_256 = vector.broadcast %broadcast_in_dim3A_255 : i32 to vector<16xi32>
      %scan3A_257 = arith.constant 0 : i32
      %scan3A_258 = arith.constant 512 : i32
      %scan3A_259 = arith.addi %scan3A_257, %scan3A_258 : i32
      %scan3A_260 = arith.constant 8 : i32
      %scan3A_261 = scf.for %scan3A_426 = %scan3A_257 to %scan3A_259 step %scan3A_260 iter_args(%scan3A_427 = %broadcast_in_dim3A_256) -> (vector<16xi32>)  : i32 {
        %get3A = arith.index_cast %scan3A_426 : i32 to index
        %get3A_428 = arith.constant 0 : index
        %get3A_429 = tpu.vector_load %arg12[%get3A, %get3A_428] {strides = array<i32>} : memref<512x32xf32, #tpu.memory_space<vmem>>, vector<16xf32>,
        %add3A_430 = arith.addf %get3A_429, %mul3A_23 : vector<16xf32>
        tpu.vector_store_idx %arg14[%iota3A, %scan3A_427], %add3A_430 : memref<32x513xf32, #tpu.memory_space<vmem>>[vector<16xi32>, vector<16xi32>], vector<16xf32>,
        %add3A_431 = arith.constant 16 : i32
        %add3A_432 = vector.broadcast %add3A_431 : i32 to vector<16xi32>
        %add3A_433 = arith.addi %iota3A, %add3A_432 : vector<16xi32>
        %get3A_434 = arith.index_cast %scan3A_426 : i32 to index
        %get3A_435 = arith.constant 16 : index
        %get3A_436 = tpu.vector_load %arg12[%get3A_434, %get3A_435] {strides = array<i32>} : memref<512x32xf32, #tpu.memory_space<vmem>>, vector<16xf32>,
        %add3A_437 = arith.addf %get3A_436, %mul3A_26 : vector<16xf32>
        tpu.vector_store_idx %arg14[%add3A_433, %scan3A_427], %add3A_437 : memref<32x513xf32, #tpu.memory_space<vmem>>[vector<16xi32>, vector<16xi32>], vector<16xf32>,
        %add3A_438 = arith.constant 1 : i32
        %add3A_439 = vector.broadcast %add3A_438 : i32 to vector<16xi32>
        %add3A_440 = arith.addi %scan3A_427, %add3A_439 : vector<16xi32>
        %scan3A_441 = arith.constant 1 : i32
        %scan3A_442 = arith.addi %scan3A_426, %scan3A_441 : i32
        %get3A_443 = arith.index_cast %scan3A_442 : i32 to index
        %get3A_444 = arith.constant 0 : index
        %get3A_445 = tpu.vector_load %arg12[%get3A_443, %get3A_444] {strides = array<i32>} : memref<512x32xf32, #tpu.memory_space<vmem>>, vector<16xf32>,
        %add3A_446 = arith.addf %get3A_445, %mul3A_23 : vector<16xf32>
        tpu.vector_store_idx %arg14[%iota3A, %add3A_440], %add3A_446 : memref<32x513xf32, #tpu.memory_space<vmem>>[vector<16xi32>, vector<16xi32>], vector<16xf32>,
        %add3A_447 = arith.constant 16 : i32
        %add3A_448 = vector.broadcast %add3A_447 : i32 to vector<16xi32>
        %add3A_449 = arith.addi %iota3A, %add3A_448 : vector<16xi32>
        %get3A_450 = arith.index_cast %scan3A_442 : i32 to index
        %get3A_451 = arith.constant 16 : index
        %get3A_452 = tpu.vector_load %arg12[%get3A_450, %get3A_451] {strides = array<i32>} : memref<512x32xf32, #tpu.memory_space<vmem>>, vector<16xf32>,
        %add3A_453 = arith.addf %get3A_452, %mul3A_26 : vector<16xf32>
        tpu.vector_store_idx %arg14[%add3A_449, %add3A_440], %add3A_453 : memref<32x513xf32, #tpu.memory_space<vmem>>[vector<16xi32>, vector<16xi32>], vector<16xf32>,
        %add3A_454 = arith.constant 1 : i32
        %add3A_455 = vector.broadcast %add3A_454 : i32 to vector<16xi32>
        %add3A_456 = arith.addi %add3A_440, %add3A_455 : vector<16xi32>
        %scan3A_457 = arith.constant 2 : i32
        %scan3A_458 = arith.addi %scan3A_426, %scan3A_457 : i32
        %get3A_459 = arith.index_cast %scan3A_458 : i32 to index
        %get3A_460 = arith.constant 0 : index
        %get3A_461 = tpu.vector_load %arg12[%get3A_459, %get3A_460] {strides = array<i32>} : memref<512x32xf32, #tpu.memory_space<vmem>>, vector<16xf32>,
        %add3A_462 = arith.addf %get3A_461, %mul3A_23 : vector<16xf32>
        tpu.vector_store_idx %arg14[%iota3A, %add3A_456], %add3A_462 : memref<32x513xf32, #tpu.memory_space<vmem>>[vector<16xi32>, vector<16xi32>], vector<16xf32>,
        %add3A_463 = arith.constant 16 : i32
        %add3A_464 = vector.broadcast %add3A_463 : i32 to vector<16xi32>
        %add3A_465 = arith.addi %iota3A, %add3A_464 : vector<16xi32>
        %get3A_466 = arith.index_cast %scan3A_458 : i32 to index
        %get3A_467 = arith.constant 16 : index
        %get3A_468 = tpu.vector_load %arg12[%get3A_466, %get3A_467] {strides = array<i32>} : memref<512x32xf32, #tpu.memory_space<vmem>>, vector<16xf32>,
        %add3A_469 = arith.addf %get3A_468, %mul3A_26 : vector<16xf32>
        tpu.vector_store_idx %arg14[%add3A_465, %add3A_456], %add3A_469 : memref<32x513xf32, #tpu.memory_space<vmem>>[vector<16xi32>, vector<16xi32>], vector<16xf32>,
        %add3A_470 = arith.constant 1 : i32
        %add3A_471 = vector.broadcast %add3A_470 : i32 to vector<16xi32>
        %add3A_472 = arith.addi %add3A_456, %add3A_471 : vector<16xi32>
        %scan3A_473 = arith.constant 3 : i32
        %scan3A_474 = arith.addi %scan3A_426, %scan3A_473 : i32
        %get3A_475 = arith.index_cast %scan3A_474 : i32 to index
        %get3A_476 = arith.constant 0 : index
        %get3A_477 = tpu.vector_load %arg12[%get3A_475, %get3A_476] {strides = array<i32>} : memref<512x32xf32, #tpu.memory_space<vmem>>, vector<16xf32>,
        %add3A_478 = arith.addf %get3A_477, %mul3A_23 : vector<16xf32>
        tpu.vector_store_idx %arg14[%iota3A, %add3A_472], %add3A_478 : memref<32x513xf32, #tpu.memory_space<vmem>>[vector<16xi32>, vector<16xi32>], vector<16xf32>,
        %add3A_479 = arith.constant 16 : i32
        %add3A_480 = vector.broadcast %add3A_479 : i32 to vector<16xi32>
        %add3A_481 = arith.addi %iota3A, %add3A_480 : vector<16xi32>
        %get3A_482 = arith.index_cast %scan3A_474 : i32 to index
        %get3A_483 = arith.constant 16 : index
        %get3A_484 = tpu.vector_load %arg12[%get3A_482, %get3A_483] {strides = array<i32>} : memref<512x32xf32, #tpu.memory_space<vmem>>, vector<16xf32>,
        %add3A_485 = arith.addf %get3A_484, %mul3A_26 : vector<16xf32>
        tpu.vector_store_idx %arg14[%add3A_481, %add3A_472], %add3A_485 : memref<32x513xf32, #tpu.memory_space<vmem>>[vector<16xi32>, vector<16xi32>], vector<16xf32>,
        %add3A_486 = arith.constant 1 : i32
        %add3A_487 = vector.broadcast %add3A_486 : i32 to vector<16xi32>
        %add3A_488 = arith.addi %add3A_472, %add3A_487 : vector<16xi32>
        %scan3A_489 = arith.constant 4 : i32
        %scan3A_490 = arith.addi %scan3A_426, %scan3A_489 : i32
        %get3A_491 = arith.index_cast %scan3A_490 : i32 to index
        %get3A_492 = arith.constant 0 : index
        %get3A_493 = tpu.vector_load %arg12[%get3A_491, %get3A_492] {strides = array<i32>} : memref<512x32xf32, #tpu.memory_space<vmem>>, vector<16xf32>,
        %add3A_494 = arith.addf %get3A_493, %mul3A_23 : vector<16xf32>
        tpu.vector_store_idx %arg14[%iota3A, %add3A_488], %add3A_494 : memref<32x513xf32, #tpu.memory_space<vmem>>[vector<16xi32>, vector<16xi32>], vector<16xf32>,
        %add3A_495 = arith.constant 16 : i32
        %add3A_496 = vector.broadcast %add3A_495 : i32 to vector<16xi32>
        %add3A_497 = arith.addi %iota3A, %add3A_496 : vector<16xi32>
        %get3A_498 = arith.index_cast %scan3A_490 : i32 to index
        %get3A_499 = arith.constant 16 : index
        %get3A_500 = tpu.vector_load %arg12[%get3A_498, %get3A_499] {strides = array<i32>} : memref<512x32xf32, #tpu.memory_space<vmem>>, vector<16xf32>,
        %add3A_501 = arith.addf %get3A_500, %mul3A_26 : vector<16xf32>
        tpu.vector_store_idx %arg14[%add3A_497, %add3A_488], %add3A_501 : memref<32x513xf32, #tpu.memory_space<vmem>>[vector<16xi32>, vector<16xi32>], vector<16xf32>,
        %add3A_502 = arith.constant 1 : i32
        %add3A_503 = vector.broadcast %add3A_502 : i32 to vector<16xi32>
        %add3A_504 = arith.addi %add3A_488, %add3A_503 : vector<16xi32>
        %scan3A_505 = arith.constant 5 : i32
        %scan3A_506 = arith.addi %scan3A_426, %scan3A_505 : i32
        %get3A_507 = arith.index_cast %scan3A_506 : i32 to index
        %get3A_508 = arith.constant 0 : index
        %get3A_509 = tpu.vector_load %arg12[%get3A_507, %get3A_508] {strides = array<i32>} : memref<512x32xf32, #tpu.memory_space<vmem>>, vector<16xf32>,
        %add3A_510 = arith.addf %get3A_509, %mul3A_23 : vector<16xf32>
        tpu.vector_store_idx %arg14[%iota3A, %add3A_504], %add3A_510 : memref<32x513xf32, #tpu.memory_space<vmem>>[vector<16xi32>, vector<16xi32>], vector<16xf32>,
        %add3A_511 = arith.constant 16 : i32
        %add3A_512 = vector.broadcast %add3A_511 : i32 to vector<16xi32>
        %add3A_513 = arith.addi %iota3A, %add3A_512 : vector<16xi32>
        %get3A_514 = arith.index_cast %scan3A_506 : i32 to index
        %get3A_515 = arith.constant 16 : index
        %get3A_516 = tpu.vector_load %arg12[%get3A_514, %get3A_515] {strides = array<i32>} : memref<512x32xf32, #tpu.memory_space<vmem>>, vector<16xf32>,
        %add3A_517 = arith.addf %get3A_516, %mul3A_26 : vector<16xf32>
        tpu.vector_store_idx %arg14[%add3A_513, %add3A_504], %add3A_517 : memref<32x513xf32, #tpu.memory_space<vmem>>[vector<16xi32>, vector<16xi32>], vector<16xf32>,
        %add3A_518 = arith.constant 1 : i32
        %add3A_519 = vector.broadcast %add3A_518 : i32 to vector<16xi32>
        %add3A_520 = arith.addi %add3A_504, %add3A_519 : vector<16xi32>
        %scan3A_521 = arith.constant 6 : i32
        %scan3A_522 = arith.addi %scan3A_426, %scan3A_521 : i32
        %get3A_523 = arith.index_cast %scan3A_522 : i32 to index
        %get3A_524 = arith.constant 0 : index
        %get3A_525 = tpu.vector_load %arg12[%get3A_523, %get3A_524] {strides = array<i32>} : memref<512x32xf32, #tpu.memory_space<vmem>>, vector<16xf32>,
        %add3A_526 = arith.addf %get3A_525, %mul3A_23 : vector<16xf32>
        tpu.vector_store_idx %arg14[%iota3A, %add3A_520], %add3A_526 : memref<32x513xf32, #tpu.memory_space<vmem>>[vector<16xi32>, vector<16xi32>], vector<16xf32>,
        %add3A_527 = arith.constant 16 : i32
        %add3A_528 = vector.broadcast %add3A_527 : i32 to vector<16xi32>
        %add3A_529 = arith.addi %iota3A, %add3A_528 : vector<16xi32>
        %get3A_530 = arith.index_cast %scan3A_522 : i32 to index
        %get3A_531 = arith.constant 16 : index
        %get3A_532 = tpu.vector_load %arg12[%get3A_530, %get3A_531] {strides = array<i32>} : memref<512x32xf32, #tpu.memory_space<vmem>>, vector<16xf32>,
        %add3A_533 = arith.addf %get3A_532, %mul3A_26 : vector<16xf32>
        tpu.vector_store_idx %arg14[%add3A_529, %add3A_520], %add3A_533 : memref<32x513xf32, #tpu.memory_space<vmem>>[vector<16xi32>, vector<16xi32>], vector<16xf32>,
        %add3A_534 = arith.constant 1 : i32
        %add3A_535 = vector.broadcast %add3A_534 : i32 to vector<16xi32>
        %add3A_536 = arith.addi %add3A_520, %add3A_535 : vector<16xi32>
        %scan3A_537 = arith.constant 7 : i32
        %scan3A_538 = arith.addi %scan3A_426, %scan3A_537 : i32
        %get3A_539 = arith.index_cast %scan3A_538 : i32 to index
        %get3A_540 = arith.constant 0 : index
        %get3A_541 = tpu.vector_load %arg12[%get3A_539, %get3A_540] {strides = array<i32>} : memref<512x32xf32, #tpu.memory_space<vmem>>, vector<16xf32>,
        %add3A_542 = arith.addf %get3A_541, %mul3A_23 : vector<16xf32>
        tpu.vector_store_idx %arg14[%iota3A, %add3A_536], %add3A_542 : memref<32x513xf32, #tpu.memory_space<vmem>>[vector<16xi32>, vector<16xi32>], vector<16xf32>,
        %add3A_543 = arith.constant 16 : i32
        %add3A_544 = vector.broadcast %add3A_543 : i32 to vector<16xi32>
        %add3A_545 = arith.addi %iota3A, %add3A_544 : vector<16xi32>
        %get3A_546 = arith.index_cast %scan3A_538 : i32 to index
        %get3A_547 = arith.constant 16 : index
        %get3A_548 = tpu.vector_load %arg12[%get3A_546, %get3A_547] {strides = array<i32>} : memref<512x32xf32, #tpu.memory_space<vmem>>, vector<16xf32>,
        %add3A_549 = arith.addf %get3A_548, %mul3A_26 : vector<16xf32>
        tpu.vector_store_idx %arg14[%add3A_545, %add3A_536], %add3A_549 : memref<32x513xf32, #tpu.memory_space<vmem>>[vector<16xi32>, vector<16xi32>], vector<16xf32>,
        %add3A_550 = arith.constant 1 : i32
        %add3A_551 = vector.broadcast %add3A_550 : i32 to vector<16xi32>
        %add3A_552 = arith.addi %add3A_536, %add3A_551 : vector<16xi32>
        scf.yield %add3A_552 : vector<16xi32>
      }
      %scan3A_262 = arith.constant 512 : i32
      %mul3A_263 = arith.constant 18 : i32
      %mul3A_264 = arith.muli %add3A, %mul3A_263 : i32
      %sub3A_265 = arith.constant 32 : i32
      %sub3A_266 = arith.subi %mul3A_118, %sub3A_265 : i32
      %add3A_267 = arith.addi %mul3A_264, %sub3A_266 : i32
      %lt3A_268 = arith.constant 32 : i32
      %lt3A_269 = arith.cmpi slt, %mul3A_118, %lt3A_268 : i32
      %jit3A_270 = arith.constant 32 : i32
      %div3A_271 = arith.divsi %add3A_267, %jit3A_270 : i32
      %sign3A_272 = arith.constant 0 : i32
      %sign3A_273 = arith.cmpi sgt, %add3A_267, %sign3A_272 : i32
      %sign3A_274 = arith.extui %sign3A_273 : i1 to i32
      %sign3A_275 = arith.constant 0 : i32
      %sign3A_276 = arith.cmpi slt, %add3A_267, %sign3A_275 : i32
      %sign3A_277 = arith.extui %sign3A_276 : i1 to i32
      %sign3A_278 = arith.subi %sign3A_274, %sign3A_277 : i32
      %sign3A_279 = arith.constant 0 : i32
      %sign3A_280 = arith.cmpi sgt, %jit3A_270, %sign3A_279 : i32
      %sign3A_281 = arith.extui %sign3A_280 : i1 to i32
      %sign3A_282 = arith.constant 0 : i32
      %sign3A_283 = arith.cmpi slt, %jit3A_270, %sign3A_282 : i32
      %sign3A_284 = arith.extui %sign3A_283 : i1 to i32
      %sign3A_285 = arith.subi %sign3A_281, %sign3A_284 : i32
      %ne3A_286 = arith.cmpi ne, %sign3A_278, %sign3A_285 : i32
      %rem3A_287 = arith.remsi %add3A_267, %jit3A_270 : i32
      %ne3A_288 = arith.constant 0 : i32
      %ne3A_289 = arith.cmpi ne, %rem3A_287, %ne3A_288 : i32
      %and3A_290 = arith.andi %ne3A_286, %ne3A_289 : i1
      %sub3A_291 = arith.constant 1 : i32
      %sub3A_292 = arith.subi %div3A_271, %sub3A_291 : i32
      %select_n3A_293 = arith.select %and3A_290, %sub3A_292, %div3A_271 : i32
      %add3A_294 = arith.constant 32 : i32
      %add3A_295 = arith.addi %add3A_294, %select_n3A_293 : i32
      %select_n3A_296 = arith.select %lt3A_269, %add3A, %add3A_295 : i32
      %lt3A_297 = arith.constant 32 : i32
      %lt3A_298 = arith.cmpi slt, %mul3A_118, %lt3A_297 : i32
      %jit3A_299 = arith.constant 32 : i32
      %eq3A_300 = arith.constant 0 : i32
      %eq3A_301 = arith.cmpi eq, %jit3A_299, %eq3A_300 : i32
      %jit3A_302 = arith.constant 1 : i32
      %select_n3A_303 = arith.select %eq3A_301, %jit3A_302, %jit3A_299 : i32
      %rem3A_304 = arith.remsi %add3A_267, %select_n3A_303 : i32
      %ne3A_305 = arith.constant 0 : i32
      %ne3A_306 = arith.cmpi ne, %rem3A_304, %ne3A_305 : i32
      %lt3A_307 = arith.constant 0 : i32
      %lt3A_308 = arith.cmpi slt, %rem3A_304, %lt3A_307 : i32
      %lt3A_309 = arith.constant 0 : i32
      %lt3A_310 = arith.cmpi slt, %select_n3A_303, %lt3A_309 : i32
      %ne3A_311 = arith.xori %lt3A_308, %lt3A_310 : i1
      %and3A_312 = arith.andi %ne3A_311, %ne3A_306 : i1
      %add3A_313 = arith.addi %rem3A_304, %select_n3A_303 : i32
      %select_n3A_314 = arith.select %and3A_312, %add3A_313, %rem3A_304 : i32
      %select_n3A_315 = arith.select %lt3A_298, %mul3A_118, %select_n3A_314 : i32
      %mul3A_316 = arith.constant 512 : i32
      %mul3A_317 = arith.muli %select_n3A_315, %mul3A_316 : i32
      "tpu.region"() ({
        %run_scoped3A = tpu.sem_alloc : memref<!tpu.dma_semaphore, #tpu.memory_space<semaphore_mem>>
        %dma_start3A_426 = arith.constant 0 : i32
        %dma_start3A_427 = arith.constant 0 : i32
        %dma_start3A_428 = tpu.memref_slice %arg14[%dma_start3A_426, %dma_start3A_427] : memref<32x513xf32, #tpu.memory_space<vmem>> -> memref<32x512xf32, #tpu.memory_space<vmem>>
        %dma_start3A_429 = arith.constant 0 : i32
        %dma_start3A_430 = tpu.memref_slice %arg4[%select_n3A_296, %dma_start3A_429, %mul3A_317] : memref<50x32x16384xf32, #tpu.memory_space<hbm>> -> memref<1x32x512xf32, #tpu.memory_space<hbm>>
        %dma_start3A_431 = tpu.memref_squeeze %dma_start3A_430 : memref<1x32x512xf32, #tpu.memory_space<hbm>> -> memref<32x512xf32, #tpu.memory_space<hbm>>
        %dma_start3A_432 = arith.constant 0 : i32
        %dma_start3A_433 = tpu.memref_slice %arg4[%select_n3A_296, %dma_start3A_432, %mul3A_317] : memref<50x32x16384xf32, #tpu.memory_space<hbm>> -> memref<1x32x512xf32, #tpu.memory_space<hbm>>
        %dma_start3A_434 = tpu.memref_squeeze %dma_start3A_433 : memref<1x32x512xf32, #tpu.memory_space<hbm>> -> memref<32x512xf32, #tpu.memory_space<hbm>>
        %dma_start3A_435 = arith.constant 0 : i32
        %dma_start3A_436 = arith.constant 0 : i32
        %dma_start3A_437 = tpu.memref_slice %arg14[%dma_start3A_435, %dma_start3A_436] : memref<32x513xf32, #tpu.memory_space<vmem>> -> memref<32x512xf32, #tpu.memory_space<vmem>>
        tpu.enqueue_dma source(%dma_start3A_437 : memref<32x512xf32, #tpu.memory_space<vmem>>) target(%dma_start3A_434 : memref<32x512xf32, #tpu.memory_space<hbm>>) target_semaphore(%run_scoped3A : memref<!tpu.dma_semaphore, #tpu.memory_space<semaphore_mem>>)
        %dma_wait3A_438 = arith.constant 0 : i32
        %dma_wait3A_439 = arith.constant 0 : i32
        %dma_wait3A_440 = tpu.memref_slice %arg14[%dma_wait3A_438, %dma_wait3A_439] : memref<32x513xf32, #tpu.memory_space<vmem>> -> memref<32x512xf32, #tpu.memory_space<vmem>>
        %dma_wait3A_441 = arith.constant 0 : i32
        %dma_wait3A_442 = tpu.memref_slice %arg4[%select_n3A_296, %dma_wait3A_441, %mul3A_317] : memref<50x32x16384xf32, #tpu.memory_space<hbm>> -> memref<1x32x512xf32, #tpu.memory_space<hbm>>
        %dma_wait3A_443 = tpu.memref_squeeze %dma_wait3A_442 : memref<1x32x512xf32, #tpu.memory_space<hbm>> -> memref<32x512xf32, #tpu.memory_space<hbm>>
        %dma_wait3A_444 = arith.constant 0 : i32
        %dma_wait3A_445 = tpu.memref_slice %arg4[%select_n3A_296, %dma_wait3A_444, %mul3A_317] : memref<50x32x16384xf32, #tpu.memory_space<hbm>> -> memref<1x32x512xf32, #tpu.memory_space<hbm>>
        %dma_wait3A_446 = tpu.memref_squeeze %dma_wait3A_445 : memref<1x32x512xf32, #tpu.memory_space<hbm>> -> memref<32x512xf32, #tpu.memory_space<hbm>>
        %dma_wait3A_447 = arith.constant 0 : i32
        %dma_wait3A_448 = arith.constant 0 : i32
        %dma_wait3A_449 = tpu.memref_slice %arg14[%dma_wait3A_447, %dma_wait3A_448] : memref<32x513xf32, #tpu.memory_space<vmem>> -> memref<32x512xf32, #tpu.memory_space<vmem>>
        tpu.wait_dma2 semaphore(%run_scoped3A : memref<!tpu.dma_semaphore, #tpu.memory_space<semaphore_mem>>) src(%dma_wait3A_449 : memref<32x512xf32, #tpu.memory_space<vmem>>) dst(%dma_wait3A_446 : memref<32x512xf32, #tpu.memory_space<hbm>>)
        tpu.yield
      }) : () -> ()
      %lt3A_318 = arith.constant 24 : i32
      %lt3A_319 = arith.cmpi slt, %scan3A_116, %lt3A_318 : i32
      %convert_element_type3A = arith.extui %lt3A_319 : i1 to i32
      %cond3A = arith.constant 0 : i32
      %cond3A_320 = arith.cmpi ne, %convert_element_type3A, %cond3A : i32
      scf.if %cond3A_320 {
        %add3A_426 = arith.constant 2 : i32
        %add3A_427 = arith.addi %mul3A_118, %add3A_426 : i32
        %mul3A_428 = arith.constant 18 : i32
        %mul3A_429 = arith.muli %add3A, %mul3A_428 : i32
        %sub3A_430 = arith.constant 32 : i32
        %sub3A_431 = arith.subi %add3A_427, %sub3A_430 : i32
        %add3A_432 = arith.addi %mul3A_429, %sub3A_431 : i32
        %lt3A_433 = arith.constant 32 : i32
        %lt3A_434 = arith.cmpi slt, %add3A_427, %lt3A_433 : i32
        %jit3A_435 = arith.constant 32 : i32
        %div3A_436 = arith.divsi %add3A_432, %jit3A_435 : i32
        %sign3A_437 = arith.constant 0 : i32
        %sign3A_438 = arith.cmpi sgt, %add3A_432, %sign3A_437 : i32
        %sign3A_439 = arith.extui %sign3A_438 : i1 to i32
        %sign3A_440 = arith.constant 0 : i32
        %sign3A_441 = arith.cmpi slt, %add3A_432, %sign3A_440 : i32
        %sign3A_442 = arith.extui %sign3A_441 : i1 to i32
        %sign3A_443 = arith.subi %sign3A_439, %sign3A_442 : i32
        %sign3A_444 = arith.constant 0 : i32
        %sign3A_445 = arith.cmpi sgt, %jit3A_435, %sign3A_444 : i32
        %sign3A_446 = arith.extui %sign3A_445 : i1 to i32
        %sign3A_447 = arith.constant 0 : i32
        %sign3A_448 = arith.cmpi slt, %jit3A_435, %sign3A_447 : i32
        %sign3A_449 = arith.extui %sign3A_448 : i1 to i32
        %sign3A_450 = arith.subi %sign3A_446, %sign3A_449 : i32
        %ne3A_451 = arith.cmpi ne, %sign3A_443, %sign3A_450 : i32
        %rem3A_452 = arith.remsi %add3A_432, %jit3A_435 : i32
        %ne3A_453 = arith.constant 0 : i32
        %ne3A_454 = arith.cmpi ne, %rem3A_452, %ne3A_453 : i32
        %and3A_455 = arith.andi %ne3A_451, %ne3A_454 : i1
        %sub3A_456 = arith.constant 1 : i32
        %sub3A_457 = arith.subi %div3A_436, %sub3A_456 : i32
        %select_n3A_458 = arith.select %and3A_455, %sub3A_457, %div3A_436 : i32
        %add3A_459 = arith.constant 32 : i32
        %add3A_460 = arith.addi %add3A_459, %select_n3A_458 : i32
        %select_n3A_461 = arith.select %lt3A_434, %add3A, %add3A_460 : i32
        %lt3A_462 = arith.constant 32 : i32
        %lt3A_463 = arith.cmpi slt, %add3A_427, %lt3A_462 : i32
        %jit3A_464 = arith.constant 32 : i32
        %eq3A_465 = arith.constant 0 : i32
        %eq3A_466 = arith.cmpi eq, %jit3A_464, %eq3A_465 : i32
        %jit3A_467 = arith.constant 1 : i32
        %select_n3A_468 = arith.select %eq3A_466, %jit3A_467, %jit3A_464 : i32
        %rem3A_469 = arith.remsi %add3A_432, %select_n3A_468 : i32
        %ne3A_470 = arith.constant 0 : i32
        %ne3A_471 = arith.cmpi ne, %rem3A_469, %ne3A_470 : i32
        %lt3A_472 = arith.constant 0 : i32
        %lt3A_473 = arith.cmpi slt, %rem3A_469, %lt3A_472 : i32
        %lt3A_474 = arith.constant 0 : i32
        %lt3A_475 = arith.cmpi slt, %select_n3A_468, %lt3A_474 : i32
        %ne3A_476 = arith.xori %lt3A_473, %lt3A_475 : i1
        %and3A_477 = arith.andi %ne3A_476, %ne3A_471 : i1
        %add3A_478 = arith.addi %rem3A_469, %select_n3A_468 : i32
        %select_n3A_479 = arith.select %and3A_477, %add3A_478, %rem3A_469 : i32
        %select_n3A_480 = arith.select %lt3A_463, %add3A_427, %select_n3A_479 : i32
        %mul3A_481 = arith.constant 4 : i32
        %mul3A_482 = arith.muli %select_n3A_480, %mul3A_481 : i32
        "tpu.region"() ({
          %run_scoped3A = tpu.sem_alloc : memref<!tpu.dma_semaphore, #tpu.memory_space<semaphore_mem>>
          %dma_start3A_523 = arith.constant 0 : i32
          %dma_start3A_524 = tpu.memref_slice %arg2[%select_n3A_461, %mul3A_482, %dma_start3A_523] : memref<50x128x128xi32, #tpu.memory_space<hbm>> -> memref<1x4x128xi32, #tpu.memory_space<hbm>>
          %dma_start3A_525 = tpu.memref_squeeze %dma_start3A_524 : memref<1x4x128xi32, #tpu.memory_space<hbm>> -> memref<4x128xi32, #tpu.memory_space<hbm>>
          %dma_start3A_526 = arith.constant 0 : i32
          %dma_start3A_527 = tpu.memref_slice %arg2[%select_n3A_461, %mul3A_482, %dma_start3A_526] : memref<50x128x128xi32, #tpu.memory_space<hbm>> -> memref<1x4x128xi32, #tpu.memory_space<hbm>>
          %dma_start3A_528 = tpu.memref_squeeze %dma_start3A_527 : memref<1x4x128xi32, #tpu.memory_space<hbm>> -> memref<4x128xi32, #tpu.memory_space<hbm>>
          tpu.enqueue_dma source(%dma_start3A_528 : memref<4x128xi32, #tpu.memory_space<hbm>>) target(%arg10 : memref<4x128xi32, #tpu.memory_space<vmem>>) target_semaphore(%run_scoped3A : memref<!tpu.dma_semaphore, #tpu.memory_space<semaphore_mem>>)
          %dma_wait3A_529 = arith.constant 0 : i32
          %dma_wait3A_530 = tpu.memref_slice %arg2[%select_n3A_461, %mul3A_482, %dma_wait3A_529] : memref<50x128x128xi32, #tpu.memory_space<hbm>> -> memref<1x4x128xi32, #tpu.memory_space<hbm>>
          %dma_wait3A_531 = tpu.memref_squeeze %dma_wait3A_530 : memref<1x4x128xi32, #tpu.memory_space<hbm>> -> memref<4x128xi32, #tpu.memory_space<hbm>>
          %dma_wait3A_532 = arith.constant 0 : i32
          %dma_wait3A_533 = tpu.memref_slice %arg2[%select_n3A_461, %mul3A_482, %dma_wait3A_532] : memref<50x128x128xi32, #tpu.memory_space<hbm>> -> memref<1x4x128xi32, #tpu.memory_space<hbm>>
          %dma_wait3A_534 = tpu.memref_squeeze %dma_wait3A_533 : memref<1x4x128xi32, #tpu.memory_space<hbm>> -> memref<4x128xi32, #tpu.memory_space<hbm>>
          tpu.wait_dma2 semaphore(%run_scoped3A : memref<!tpu.dma_semaphore, #tpu.memory_space<semaphore_mem>>) src(%dma_wait3A_534 : memref<4x128xi32, #tpu.memory_space<hbm>>) dst(%arg10 : memref<4x128xi32, #tpu.memory_space<vmem>>)
          tpu.yield
        }) : () -> ()
        %dma_start3A_483 = arith.constant 0 : i32
        %dma_start3A_484 = arith.constant 0 : i32
        %dma_start3A_485 = arith.constant 0 : i32
        %dma_start3A_486 = tpu.memref_slice %arg12[%dma_start3A_484, %dma_start3A_485] : memref<512x32xf32, #tpu.memory_space<vmem>> -> memref<128x32xf32, #tpu.memory_space<vmem>>
        %dma_start3A_487 = arith.constant 0 : i32
        %dma_start3A_488 = tpu.memref_slice %arg10[%dma_start3A_483, %dma_start3A_487] : memref<4x128xi32, #tpu.memory_space<vmem>> -> memref<1x128xi32, #tpu.memory_space<vmem>>
        %dma_start3A_489 = tpu.memref_squeeze %dma_start3A_488 : memref<1x128xi32, #tpu.memory_space<vmem>> -> memref<128xi32, #tpu.memory_space<vmem>>
        %dma_start3A_490 = arith.constant 0 : i32
        %dma_start3A_491 = arith.constant 0 : i32
        %dma_start3A_492 = tpu.memref_slice %arg3[%dma_start3A_490, %dma_start3A_491] : memref<1000000x32xf32, #tpu.memory_space<hbm>> -> memref<1000000x32xf32, #tpu.memory_space<hbm>>
        tpu.enqueue_indirect_dma source(%dma_start3A_492 : memref<1000000x32xf32, #tpu.memory_space<hbm>>) target(%dma_start3A_486 : memref<128x32xf32, #tpu.memory_space<vmem>>) offsets(%dma_start3A_489 : memref<128xi32, #tpu.memory_space<vmem>>) semaphore(%arg16 : memref<!tpu.dma_semaphore, #tpu.memory_space<semaphore_mem>>)
        %dma_start3A_493 = arith.constant 1 : i32
        %dma_start3A_494 = arith.constant 128 : i32
        %dma_start3A_495 = arith.constant 0 : i32
        %dma_start3A_496 = tpu.memref_slice %arg12[%dma_start3A_494, %dma_start3A_495] : memref<512x32xf32, #tpu.memory_space<vmem>> -> memref<128x32xf32, #tpu.memory_space<vmem>>
        %dma_start3A_497 = arith.constant 0 : i32
        %dma_start3A_498 = tpu.memref_slice %arg10[%dma_start3A_493, %dma_start3A_497] : memref<4x128xi32, #tpu.memory_space<vmem>> -> memref<1x128xi32, #tpu.memory_space<vmem>>
        %dma_start3A_499 = tpu.memref_squeeze %dma_start3A_498 : memref<1x128xi32, #tpu.memory_space<vmem>> -> memref<128xi32, #tpu.memory_space<vmem>>
        %dma_start3A_500 = arith.constant 0 : i32
        %dma_start3A_501 = arith.constant 0 : i32
        %dma_start3A_502 = tpu.memref_slice %arg3[%dma_start3A_500, %dma_start3A_501] : memref<1000000x32xf32, #tpu.memory_space<hbm>> -> memref<1000000x32xf32, #tpu.memory_space<hbm>>
        tpu.enqueue_indirect_dma source(%dma_start3A_502 : memref<1000000x32xf32, #tpu.memory_space<hbm>>) target(%dma_start3A_496 : memref<128x32xf32, #tpu.memory_space<vmem>>) offsets(%dma_start3A_499 : memref<128xi32, #tpu.memory_space<vmem>>) semaphore(%arg16 : memref<!tpu.dma_semaphore, #tpu.memory_space<semaphore_mem>>)
        %dma_start3A_503 = arith.constant 2 : i32
        %dma_start3A_504 = arith.constant 256 : i32
        %dma_start3A_505 = arith.constant 0 : i32
        %dma_start3A_506 = tpu.memref_slice %arg12[%dma_start3A_504, %dma_start3A_505] : memref<512x32xf32, #tpu.memory_space<vmem>> -> memref<128x32xf32, #tpu.memory_space<vmem>>
        %dma_start3A_507 = arith.constant 0 : i32
        %dma_start3A_508 = tpu.memref_slice %arg10[%dma_start3A_503, %dma_start3A_507] : memref<4x128xi32, #tpu.memory_space<vmem>> -> memref<1x128xi32, #tpu.memory_space<vmem>>
        %dma_start3A_509 = tpu.memref_squeeze %dma_start3A_508 : memref<1x128xi32, #tpu.memory_space<vmem>> -> memref<128xi32, #tpu.memory_space<vmem>>
        %dma_start3A_510 = arith.constant 0 : i32
        %dma_start3A_511 = arith.constant 0 : i32
        %dma_start3A_512 = tpu.memref_slice %arg3[%dma_start3A_510, %dma_start3A_511] : memref<1000000x32xf32, #tpu.memory_space<hbm>> -> memref<1000000x32xf32, #tpu.memory_space<hbm>>
        tpu.enqueue_indirect_dma source(%dma_start3A_512 : memref<1000000x32xf32, #tpu.memory_space<hbm>>) target(%dma_start3A_506 : memref<128x32xf32, #tpu.memory_space<vmem>>) offsets(%dma_start3A_509 : memref<128xi32, #tpu.memory_space<vmem>>) semaphore(%arg16 : memref<!tpu.dma_semaphore, #tpu.memory_space<semaphore_mem>>)
        %dma_start3A_513 = arith.constant 3 : i32
        %dma_start3A_514 = arith.constant 384 : i32
        %dma_start3A_515 = arith.constant 0 : i32
        %dma_start3A_516 = tpu.memref_slice %arg12[%dma_start3A_514, %dma_start3A_515] : memref<512x32xf32, #tpu.memory_space<vmem>> -> memref<128x32xf32, #tpu.memory_space<vmem>>
        %dma_start3A_517 = arith.constant 0 : i32
        %dma_start3A_518 = tpu.memref_slice %arg10[%dma_start3A_513, %dma_start3A_517] : memref<4x128xi32, #tpu.memory_space<vmem>> -> memref<1x128xi32, #tpu.memory_space<vmem>>
        %dma_start3A_519 = tpu.memref_squeeze %dma_start3A_518 : memref<1x128xi32, #tpu.memory_space<vmem>> -> memref<128xi32, #tpu.memory_space<vmem>>
        %dma_start3A_520 = arith.constant 0 : i32
        %dma_start3A_521 = arith.constant 0 : i32
        %dma_start3A_522 = tpu.memref_slice %arg3[%dma_start3A_520, %dma_start3A_521] : memref<1000000x32xf32, #tpu.memory_space<hbm>> -> memref<1000000x32xf32, #tpu.memory_space<hbm>>
        tpu.enqueue_indirect_dma source(%dma_start3A_522 : memref<1000000x32xf32, #tpu.memory_space<hbm>>) target(%dma_start3A_516 : memref<128x32xf32, #tpu.memory_space<vmem>>) offsets(%dma_start3A_519 : memref<128xi32, #tpu.memory_space<vmem>>) semaphore(%arg16 : memref<!tpu.dma_semaphore, #tpu.memory_space<semaphore_mem>>)
      } else {
      }
      %add3A_321 = arith.constant 1 : i32
      %add3A_322 = arith.addi %mul3A_118, %add3A_321 : i32
      %dma_wait3A_323 = arith.constant 0 : i32
      %dma_wait3A_324 = arith.constant 0 : i32
      %dma_wait3A_325 = arith.constant 0 : i32
      %dma_wait3A_326 = tpu.memref_slice %arg13[%dma_wait3A_324, %dma_wait3A_325] : memref<512x32xf32, #tpu.memory_space<vmem>> -> memref<128x32xf32, #tpu.memory_space<vmem>>
      %dma_wait3A_327 = arith.constant 0 : i32
      %dma_wait3A_328 = tpu.memref_slice %arg10[%dma_wait3A_323, %dma_wait3A_327] : memref<4x128xi32, #tpu.memory_space<vmem>> -> memref<1x128xi32, #tpu.memory_space<vmem>>
      %dma_wait3A_329 = tpu.memref_squeeze %dma_wait3A_328 : memref<1x128xi32, #tpu.memory_space<vmem>> -> memref<128xi32, #tpu.memory_space<vmem>>
      %dma_wait3A_330 = arith.constant 0 : i32
      %dma_wait3A_331 = arith.constant 0 : i32
      %dma_wait3A_332 = tpu.memref_slice %arg3[%dma_wait3A_330, %dma_wait3A_331] : memref<1000000x32xf32, #tpu.memory_space<hbm>> -> memref<1000000x32xf32, #tpu.memory_space<hbm>>
      tpu.wait_indirect_dma semaphore(%arg16 : memref<!tpu.dma_semaphore, #tpu.memory_space<semaphore_mem>>) src(%dma_wait3A_332 : memref<1000000x32xf32, #tpu.memory_space<hbm>>) dst(%dma_wait3A_326 : memref<128x32xf32, #tpu.memory_space<vmem>>)
      %dma_wait3A_333 = arith.constant 1 : i32
      %dma_wait3A_334 = arith.constant 128 : i32
      %dma_wait3A_335 = arith.constant 0 : i32
      %dma_wait3A_336 = tpu.memref_slice %arg13[%dma_wait3A_334, %dma_wait3A_335] : memref<512x32xf32, #tpu.memory_space<vmem>> -> memref<128x32xf32, #tpu.memory_space<vmem>>
      %dma_wait3A_337 = arith.constant 0 : i32
      %dma_wait3A_338 = tpu.memref_slice %arg10[%dma_wait3A_333, %dma_wait3A_337] : memref<4x128xi32, #tpu.memory_space<vmem>> -> memref<1x128xi32, #tpu.memory_space<vmem>>
      %dma_wait3A_339 = tpu.memref_squeeze %dma_wait3A_338 : memref<1x128xi32, #tpu.memory_space<vmem>> -> memref<128xi32, #tpu.memory_space<vmem>>
      %dma_wait3A_340 = arith.constant 0 : i32
      %dma_wait3A_341 = arith.constant 0 : i32
      %dma_wait3A_342 = tpu.memref_slice %arg3[%dma_wait3A_340, %dma_wait3A_341] : memref<1000000x32xf32, #tpu.memory_space<hbm>> -> memref<1000000x32xf32, #tpu.memory_space<hbm>>
      tpu.wait_indirect_dma semaphore(%arg16 : memref<!tpu.dma_semaphore, #tpu.memory_space<semaphore_mem>>) src(%dma_wait3A_342 : memref<1000000x32xf32, #tpu.memory_space<hbm>>) dst(%dma_wait3A_336 : memref<128x32xf32, #tpu.memory_space<vmem>>)
      %dma_wait3A_343 = arith.constant 2 : i32
      %dma_wait3A_344 = arith.constant 256 : i32
      %dma_wait3A_345 = arith.constant 0 : i32
      %dma_wait3A_346 = tpu.memref_slice %arg13[%dma_wait3A_344, %dma_wait3A_345] : memref<512x32xf32, #tpu.memory_space<vmem>> -> memref<128x32xf32, #tpu.memory_space<vmem>>
      %dma_wait3A_347 = arith.constant 0 : i32
      %dma_wait3A_348 = tpu.memref_slice %arg10[%dma_wait3A_343, %dma_wait3A_347] : memref<4x128xi32, #tpu.memory_space<vmem>> -> memref<1x128xi32, #tpu.memory_space<vmem>>
      %dma_wait3A_349 = tpu.memref_squeeze %dma_wait3A_348 : memref<1x128xi32, #tpu.memory_space<vmem>> -> memref<128xi32, #tpu.memory_space<vmem>>
      %dma_wait3A_350 = arith.constant 0 : i32
      %dma_wait3A_351 = arith.constant 0 : i32
      %dma_wait3A_352 = tpu.memref_slice %arg3[%dma_wait3A_350, %dma_wait3A_351] : memref<1000000x32xf32, #tpu.memory_space<hbm>> -> memref<1000000x32xf32, #tpu.memory_space<hbm>>
      tpu.wait_indirect_dma semaphore(%arg16 : memref<!tpu.dma_semaphore, #tpu.memory_space<semaphore_mem>>) src(%dma_wait3A_352 : memref<1000000x32xf32, #tpu.memory_space<hbm>>) dst(%dma_wait3A_346 : memref<128x32xf32, #tpu.memory_space<vmem>>)
      %dma_wait3A_353 = arith.constant 3 : i32
      %dma_wait3A_354 = arith.constant 384 : i32
      %dma_wait3A_355 = arith.constant 0 : i32
      %dma_wait3A_356 = tpu.memref_slice %arg13[%dma_wait3A_354, %dma_wait3A_355] : memref<512x32xf32, #tpu.memory_space<vmem>> -> memref<128x32xf32, #tpu.memory_space<vmem>>
      %dma_wait3A_357 = arith.constant 0 : i32
      %dma_wait3A_358 = tpu.memref_slice %arg10[%dma_wait3A_353, %dma_wait3A_357] : memref<4x128xi32, #tpu.memory_space<vmem>> -> memref<1x128xi32, #tpu.memory_space<vmem>>
      %dma_wait3A_359 = tpu.memref_squeeze %dma_wait3A_358 : memref<1x128xi32, #tpu.memory_space<vmem>> -> memref<128xi32, #tpu.memory_space<vmem>>
      %dma_wait3A_360 = arith.constant 0 : i32
      %dma_wait3A_361 = arith.constant 0 : i32
      %dma_wait3A_362 = tpu.memref_slice %arg3[%dma_wait3A_360, %dma_wait3A_361] : memref<1000000x32xf32, #tpu.memory_space<hbm>> -> memref<1000000x32xf32, #tpu.memory_space<hbm>>
      tpu.wait_indirect_dma semaphore(%arg16 : memref<!tpu.dma_semaphore, #tpu.memory_space<semaphore_mem>>) src(%dma_wait3A_362 : memref<1000000x32xf32, #tpu.memory_space<hbm>>) dst(%dma_wait3A_356 : memref<128x32xf32, #tpu.memory_space<vmem>>)
      %broadcast_in_dim3A_363 = arith.constant 0 : i32
      %broadcast_in_dim3A_364 = vector.broadcast %broadcast_in_dim3A_363 : i32 to vector<16xi32>
      %scan3A_365 = arith.constant 0 : i32
      %scan3A_366 = arith.constant 512 : i32
      %scan3A_367 = arith.addi %scan3A_365, %scan3A_366 : i32
      %scan3A_368 = arith.constant 8 : i32
      %scan3A_369 = scf.for %scan3A_426 = %scan3A_365 to %scan3A_367 step %scan3A_368 iter_args(%scan3A_427 = %broadcast_in_dim3A_364) -> (vector<16xi32>)  : i32 {
        %get3A = arith.index_cast %scan3A_426 : i32 to index
        %get3A_428 = arith.constant 0 : index
        %get3A_429 = tpu.vector_load %arg13[%get3A, %get3A_428] {strides = array<i32>} : memref<512x32xf32, #tpu.memory_space<vmem>>, vector<16xf32>,
        %add3A_430 = arith.addf %get3A_429, %mul3A_23 : vector<16xf32>
        tpu.vector_store_idx %arg14[%iota3A, %scan3A_427], %add3A_430 : memref<32x513xf32, #tpu.memory_space<vmem>>[vector<16xi32>, vector<16xi32>], vector<16xf32>,
        %add3A_431 = arith.constant 16 : i32
        %add3A_432 = vector.broadcast %add3A_431 : i32 to vector<16xi32>
        %add3A_433 = arith.addi %iota3A, %add3A_432 : vector<16xi32>
        %get3A_434 = arith.index_cast %scan3A_426 : i32 to index
        %get3A_435 = arith.constant 16 : index
        %get3A_436 = tpu.vector_load %arg13[%get3A_434, %get3A_435] {strides = array<i32>} : memref<512x32xf32, #tpu.memory_space<vmem>>, vector<16xf32>,
        %add3A_437 = arith.addf %get3A_436, %mul3A_26 : vector<16xf32>
        tpu.vector_store_idx %arg14[%add3A_433, %scan3A_427], %add3A_437 : memref<32x513xf32, #tpu.memory_space<vmem>>[vector<16xi32>, vector<16xi32>], vector<16xf32>,
        %add3A_438 = arith.constant 1 : i32
        %add3A_439 = vector.broadcast %add3A_438 : i32 to vector<16xi32>
        %add3A_440 = arith.addi %scan3A_427, %add3A_439 : vector<16xi32>
        %scan3A_441 = arith.constant 1 : i32
        %scan3A_442 = arith.addi %scan3A_426, %scan3A_441 : i32
        %get3A_443 = arith.index_cast %scan3A_442 : i32 to index
        %get3A_444 = arith.constant 0 : index
        %get3A_445 = tpu.vector_load %arg13[%get3A_443, %get3A_444] {strides = array<i32>} : memref<512x32xf32, #tpu.memory_space<vmem>>, vector<16xf32>,
        %add3A_446 = arith.addf %get3A_445, %mul3A_23 : vector<16xf32>
        tpu.vector_store_idx %arg14[%iota3A, %add3A_440], %add3A_446 : memref<32x513xf32, #tpu.memory_space<vmem>>[vector<16xi32>, vector<16xi32>], vector<16xf32>,
        %add3A_447 = arith.constant 16 : i32
        %add3A_448 = vector.broadcast %add3A_447 : i32 to vector<16xi32>
        %add3A_449 = arith.addi %iota3A, %add3A_448 : vector<16xi32>
        %get3A_450 = arith.index_cast %scan3A_442 : i32 to index
        %get3A_451 = arith.constant 16 : index
        %get3A_452 = tpu.vector_load %arg13[%get3A_450, %get3A_451] {strides = array<i32>} : memref<512x32xf32, #tpu.memory_space<vmem>>, vector<16xf32>,
        %add3A_453 = arith.addf %get3A_452, %mul3A_26 : vector<16xf32>
        tpu.vector_store_idx %arg14[%add3A_449, %add3A_440], %add3A_453 : memref<32x513xf32, #tpu.memory_space<vmem>>[vector<16xi32>, vector<16xi32>], vector<16xf32>,
        %add3A_454 = arith.constant 1 : i32
        %add3A_455 = vector.broadcast %add3A_454 : i32 to vector<16xi32>
        %add3A_456 = arith.addi %add3A_440, %add3A_455 : vector<16xi32>
        %scan3A_457 = arith.constant 2 : i32
        %scan3A_458 = arith.addi %scan3A_426, %scan3A_457 : i32
        %get3A_459 = arith.index_cast %scan3A_458 : i32 to index
        %get3A_460 = arith.constant 0 : index
        %get3A_461 = tpu.vector_load %arg13[%get3A_459, %get3A_460] {strides = array<i32>} : memref<512x32xf32, #tpu.memory_space<vmem>>, vector<16xf32>,
        %add3A_462 = arith.addf %get3A_461, %mul3A_23 : vector<16xf32>
        tpu.vector_store_idx %arg14[%iota3A, %add3A_456], %add3A_462 : memref<32x513xf32, #tpu.memory_space<vmem>>[vector<16xi32>, vector<16xi32>], vector<16xf32>,
        %add3A_463 = arith.constant 16 : i32
        %add3A_464 = vector.broadcast %add3A_463 : i32 to vector<16xi32>
        %add3A_465 = arith.addi %iota3A, %add3A_464 : vector<16xi32>
        %get3A_466 = arith.index_cast %scan3A_458 : i32 to index
        %get3A_467 = arith.constant 16 : index
        %get3A_468 = tpu.vector_load %arg13[%get3A_466, %get3A_467] {strides = array<i32>} : memref<512x32xf32, #tpu.memory_space<vmem>>, vector<16xf32>,
        %add3A_469 = arith.addf %get3A_468, %mul3A_26 : vector<16xf32>
        tpu.vector_store_idx %arg14[%add3A_465, %add3A_456], %add3A_469 : memref<32x513xf32, #tpu.memory_space<vmem>>[vector<16xi32>, vector<16xi32>], vector<16xf32>,
        %add3A_470 = arith.constant 1 : i32
        %add3A_471 = vector.broadcast %add3A_470 : i32 to vector<16xi32>
        %add3A_472 = arith.addi %add3A_456, %add3A_471 : vector<16xi32>
        %scan3A_473 = arith.constant 3 : i32
        %scan3A_474 = arith.addi %scan3A_426, %scan3A_473 : i32
        %get3A_475 = arith.index_cast %scan3A_474 : i32 to index
        %get3A_476 = arith.constant 0 : index
        %get3A_477 = tpu.vector_load %arg13[%get3A_475, %get3A_476] {strides = array<i32>} : memref<512x32xf32, #tpu.memory_space<vmem>>, vector<16xf32>,
        %add3A_478 = arith.addf %get3A_477, %mul3A_23 : vector<16xf32>
        tpu.vector_store_idx %arg14[%iota3A, %add3A_472], %add3A_478 : memref<32x513xf32, #tpu.memory_space<vmem>>[vector<16xi32>, vector<16xi32>], vector<16xf32>,
        %add3A_479 = arith.constant 16 : i32
        %add3A_480 = vector.broadcast %add3A_479 : i32 to vector<16xi32>
        %add3A_481 = arith.addi %iota3A, %add3A_480 : vector<16xi32>
        %get3A_482 = arith.index_cast %scan3A_474 : i32 to index
        %get3A_483 = arith.constant 16 : index
        %get3A_484 = tpu.vector_load %arg13[%get3A_482, %get3A_483] {strides = array<i32>} : memref<512x32xf32, #tpu.memory_space<vmem>>, vector<16xf32>,
        %add3A_485 = arith.addf %get3A_484, %mul3A_26 : vector<16xf32>
        tpu.vector_store_idx %arg14[%add3A_481, %add3A_472], %add3A_485 : memref<32x513xf32, #tpu.memory_space<vmem>>[vector<16xi32>, vector<16xi32>], vector<16xf32>,
        %add3A_486 = arith.constant 1 : i32
        %add3A_487 = vector.broadcast %add3A_486 : i32 to vector<16xi32>
        %add3A_488 = arith.addi %add3A_472, %add3A_487 : vector<16xi32>
        %scan3A_489 = arith.constant 4 : i32
        %scan3A_490 = arith.addi %scan3A_426, %scan3A_489 : i32
        %get3A_491 = arith.index_cast %scan3A_490 : i32 to index
        %get3A_492 = arith.constant 0 : index
        %get3A_493 = tpu.vector_load %arg13[%get3A_491, %get3A_492] {strides = array<i32>} : memref<512x32xf32, #tpu.memory_space<vmem>>, vector<16xf32>,
        %add3A_494 = arith.addf %get3A_493, %mul3A_23 : vector<16xf32>
        tpu.vector_store_idx %arg14[%iota3A, %add3A_488], %add3A_494 : memref<32x513xf32, #tpu.memory_space<vmem>>[vector<16xi32>, vector<16xi32>], vector<16xf32>,
        %add3A_495 = arith.constant 16 : i32
        %add3A_496 = vector.broadcast %add3A_495 : i32 to vector<16xi32>
        %add3A_497 = arith.addi %iota3A, %add3A_496 : vector<16xi32>
        %get3A_498 = arith.index_cast %scan3A_490 : i32 to index
        %get3A_499 = arith.constant 16 : index
        %get3A_500 = tpu.vector_load %arg13[%get3A_498, %get3A_499] {strides = array<i32>} : memref<512x32xf32, #tpu.memory_space<vmem>>, vector<16xf32>,
        %add3A_501 = arith.addf %get3A_500, %mul3A_26 : vector<16xf32>
        tpu.vector_store_idx %arg14[%add3A_497, %add3A_488], %add3A_501 : memref<32x513xf32, #tpu.memory_space<vmem>>[vector<16xi32>, vector<16xi32>], vector<16xf32>,
        %add3A_502 = arith.constant 1 : i32
        %add3A_503 = vector.broadcast %add3A_502 : i32 to vector<16xi32>
        %add3A_504 = arith.addi %add3A_488, %add3A_503 : vector<16xi32>
        %scan3A_505 = arith.constant 5 : i32
        %scan3A_506 = arith.addi %scan3A_426, %scan3A_505 : i32
        %get3A_507 = arith.index_cast %scan3A_506 : i32 to index
        %get3A_508 = arith.constant 0 : index
        %get3A_509 = tpu.vector_load %arg13[%get3A_507, %get3A_508] {strides = array<i32>} : memref<512x32xf32, #tpu.memory_space<vmem>>, vector<16xf32>,
        %add3A_510 = arith.addf %get3A_509, %mul3A_23 : vector<16xf32>
        tpu.vector_store_idx %arg14[%iota3A, %add3A_504], %add3A_510 : memref<32x513xf32, #tpu.memory_space<vmem>>[vector<16xi32>, vector<16xi32>], vector<16xf32>,
        %add3A_511 = arith.constant 16 : i32
        %add3A_512 = vector.broadcast %add3A_511 : i32 to vector<16xi32>
        %add3A_513 = arith.addi %iota3A, %add3A_512 : vector<16xi32>
        %get3A_514 = arith.index_cast %scan3A_506 : i32 to index
        %get3A_515 = arith.constant 16 : index
        %get3A_516 = tpu.vector_load %arg13[%get3A_514, %get3A_515] {strides = array<i32>} : memref<512x32xf32, #tpu.memory_space<vmem>>, vector<16xf32>,
        %add3A_517 = arith.addf %get3A_516, %mul3A_26 : vector<16xf32>
        tpu.vector_store_idx %arg14[%add3A_513, %add3A_504], %add3A_517 : memref<32x513xf32, #tpu.memory_space<vmem>>[vector<16xi32>, vector<16xi32>], vector<16xf32>,
        %add3A_518 = arith.constant 1 : i32
        %add3A_519 = vector.broadcast %add3A_518 : i32 to vector<16xi32>
        %add3A_520 = arith.addi %add3A_504, %add3A_519 : vector<16xi32>
        %scan3A_521 = arith.constant 6 : i32
        %scan3A_522 = arith.addi %scan3A_426, %scan3A_521 : i32
        %get3A_523 = arith.index_cast %scan3A_522 : i32 to index
        %get3A_524 = arith.constant 0 : index
        %get3A_525 = tpu.vector_load %arg13[%get3A_523, %get3A_524] {strides = array<i32>} : memref<512x32xf32, #tpu.memory_space<vmem>>, vector<16xf32>,
        %add3A_526 = arith.addf %get3A_525, %mul3A_23 : vector<16xf32>
        tpu.vector_store_idx %arg14[%iota3A, %add3A_520], %add3A_526 : memref<32x513xf32, #tpu.memory_space<vmem>>[vector<16xi32>, vector<16xi32>], vector<16xf32>,
        %add3A_527 = arith.constant 16 : i32
        %add3A_528 = vector.broadcast %add3A_527 : i32 to vector<16xi32>
        %add3A_529 = arith.addi %iota3A, %add3A_528 : vector<16xi32>
        %get3A_530 = arith.index_cast %scan3A_522 : i32 to index
        %get3A_531 = arith.constant 16 : index
        %get3A_532 = tpu.vector_load %arg13[%get3A_530, %get3A_531] {strides = array<i32>} : memref<512x32xf32, #tpu.memory_space<vmem>>, vector<16xf32>,
        %add3A_533 = arith.addf %get3A_532, %mul3A_26 : vector<16xf32>
        tpu.vector_store_idx %arg14[%add3A_529, %add3A_520], %add3A_533 : memref<32x513xf32, #tpu.memory_space<vmem>>[vector<16xi32>, vector<16xi32>], vector<16xf32>,
        %add3A_534 = arith.constant 1 : i32
        %add3A_535 = vector.broadcast %add3A_534 : i32 to vector<16xi32>
        %add3A_536 = arith.addi %add3A_520, %add3A_535 : vector<16xi32>
        %scan3A_537 = arith.constant 7 : i32
        %scan3A_538 = arith.addi %scan3A_426, %scan3A_537 : i32
        %get3A_539 = arith.index_cast %scan3A_538 : i32 to index
        %get3A_540 = arith.constant 0 : index
        %get3A_541 = tpu.vector_load %arg13[%get3A_539, %get3A_540] {strides = array<i32>} : memref<512x32xf32, #tpu.memory_space<vmem>>, vector<16xf32>,
        %add3A_542 = arith.addf %get3A_541, %mul3A_23 : vector<16xf32>
        tpu.vector_store_idx %arg14[%iota3A, %add3A_536], %add3A_542 : memref<32x513xf32, #tpu.memory_space<vmem>>[vector<16xi32>, vector<16xi32>], vector<16xf32>,
        %add3A_543 = arith.constant 16 : i32
        %add3A_544 = vector.broadcast %add3A_543 : i32 to vector<16xi32>
        %add3A_545 = arith.addi %iota3A, %add3A_544 : vector<16xi32>
        %get3A_546 = arith.index_cast %scan3A_538 : i32 to index
        %get3A_547 = arith.constant 16 : index
        %get3A_548 = tpu.vector_load %arg13[%get3A_546, %get3A_547] {strides = array<i32>} : memref<512x32xf32, #tpu.memory_space<vmem>>, vector<16xf32>,
        %add3A_549 = arith.addf %get3A_548, %mul3A_26 : vector<16xf32>
        tpu.vector_store_idx %arg14[%add3A_545, %add3A_536], %add3A_549 : memref<32x513xf32, #tpu.memory_space<vmem>>[vector<16xi32>, vector<16xi32>], vector<16xf32>,
        %add3A_550 = arith.constant 1 : i32
        %add3A_551 = vector.broadcast %add3A_550 : i32 to vector<16xi32>
        %add3A_552 = arith.addi %add3A_536, %add3A_551 : vector<16xi32>
        scf.yield %add3A_552 : vector<16xi32>
      }
      %scan3A_370 = arith.constant 512 : i32
      %mul3A_371 = arith.constant 18 : i32
      %mul3A_372 = arith.muli %add3A, %mul3A_371 : i32
      %sub3A_373 = arith.constant 32 : i32
      %sub3A_374 = arith.subi %add3A_322, %sub3A_373 : i32
      %add3A_375 = arith.addi %mul3A_372, %sub3A_374 : i32
      %lt3A_376 = arith.constant 32 : i32
      %lt3A_377 = arith.cmpi slt, %add3A_322, %lt3A_376 : i32
      %jit3A_378 = arith.constant 32 : i32
      %div3A_379 = arith.divsi %add3A_375, %jit3A_378 : i32
      %sign3A_380 = arith.constant 0 : i32
      %sign3A_381 = arith.cmpi sgt, %add3A_375, %sign3A_380 : i32
      %sign3A_382 = arith.extui %sign3A_381 : i1 to i32
      %sign3A_383 = arith.constant 0 : i32
      %sign3A_384 = arith.cmpi slt, %add3A_375, %sign3A_383 : i32
      %sign3A_385 = arith.extui %sign3A_384 : i1 to i32
      %sign3A_386 = arith.subi %sign3A_382, %sign3A_385 : i32
      %sign3A_387 = arith.constant 0 : i32
      %sign3A_388 = arith.cmpi sgt, %jit3A_378, %sign3A_387 : i32
      %sign3A_389 = arith.extui %sign3A_388 : i1 to i32
      %sign3A_390 = arith.constant 0 : i32
      %sign3A_391 = arith.cmpi slt, %jit3A_378, %sign3A_390 : i32
      %sign3A_392 = arith.extui %sign3A_391 : i1 to i32
      %sign3A_393 = arith.subi %sign3A_389, %sign3A_392 : i32
      %ne3A_394 = arith.cmpi ne, %sign3A_386, %sign3A_393 : i32
      %rem3A_395 = arith.remsi %add3A_375, %jit3A_378 : i32
      %ne3A_396 = arith.constant 0 : i32
      %ne3A_397 = arith.cmpi ne, %rem3A_395, %ne3A_396 : i32
      %and3A_398 = arith.andi %ne3A_394, %ne3A_397 : i1
      %sub3A_399 = arith.constant 1 : i32
      %sub3A_400 = arith.subi %div3A_379, %sub3A_399 : i32
      %select_n3A_401 = arith.select %and3A_398, %sub3A_400, %div3A_379 : i32
      %add3A_402 = arith.constant 32 : i32
      %add3A_403 = arith.addi %add3A_402, %select_n3A_401 : i32
      %select_n3A_404 = arith.select %lt3A_377, %add3A, %add3A_403 : i32
      %lt3A_405 = arith.constant 32 : i32
      %lt3A_406 = arith.cmpi slt, %add3A_322, %lt3A_405 : i32
      %jit3A_407 = arith.constant 32 : i32
      %eq3A_408 = arith.constant 0 : i32
      %eq3A_409 = arith.cmpi eq, %jit3A_407, %eq3A_408 : i32
      %jit3A_410 = arith.constant 1 : i32
      %select_n3A_411 = arith.select %eq3A_409, %jit3A_410, %jit3A_407 : i32
      %rem3A_412 = arith.remsi %add3A_375, %select_n3A_411 : i32
      %ne3A_413 = arith.constant 0 : i32
      %ne3A_414 = arith.cmpi ne, %rem3A_412, %ne3A_413 : i32
      %lt3A_415 = arith.constant 0 : i32
      %lt3A_416 = arith.cmpi slt, %rem3A_412, %lt3A_415 : i32
      %lt3A_417 = arith.constant 0 : i32
      %lt3A_418 = arith.cmpi slt, %select_n3A_411, %lt3A_417 : i32
      %ne3A_419 = arith.xori %lt3A_416, %lt3A_418 : i1
      %and3A_420 = arith.andi %ne3A_419, %ne3A_414 : i1
      %add3A_421 = arith.addi %rem3A_412, %select_n3A_411 : i32
      %select_n3A_422 = arith.select %and3A_420, %add3A_421, %rem3A_412 : i32
      %select_n3A_423 = arith.select %lt3A_406, %add3A_322, %select_n3A_422 : i32
      %mul3A_424 = arith.constant 512 : i32
      %mul3A_425 = arith.muli %select_n3A_423, %mul3A_424 : i32
      "tpu.region"() ({
        %run_scoped3A = tpu.sem_alloc : memref<!tpu.dma_semaphore, #tpu.memory_space<semaphore_mem>>
        %dma_start3A_426 = arith.constant 0 : i32
        %dma_start3A_427 = arith.constant 0 : i32
        %dma_start3A_428 = tpu.memref_slice %arg14[%dma_start3A_426, %dma_start3A_427] : memref<32x513xf32, #tpu.memory_space<vmem>> -> memref<32x512xf32, #tpu.memory_space<vmem>>
        %dma_start3A_429 = arith.constant 0 : i32
        %dma_start3A_430 = tpu.memref_slice %arg4[%select_n3A_404, %dma_start3A_429, %mul3A_425] : memref<50x32x16384xf32, #tpu.memory_space<hbm>> -> memref<1x32x512xf32, #tpu.memory_space<hbm>>
        %dma_start3A_431 = tpu.memref_squeeze %dma_start3A_430 : memref<1x32x512xf32, #tpu.memory_space<hbm>> -> memref<32x512xf32, #tpu.memory_space<hbm>>
        %dma_start3A_432 = arith.constant 0 : i32
        %dma_start3A_433 = tpu.memref_slice %arg4[%select_n3A_404, %dma_start3A_432, %mul3A_425] : memref<50x32x16384xf32, #tpu.memory_space<hbm>> -> memref<1x32x512xf32, #tpu.memory_space<hbm>>
        %dma_start3A_434 = tpu.memref_squeeze %dma_start3A_433 : memref<1x32x512xf32, #tpu.memory_space<hbm>> -> memref<32x512xf32, #tpu.memory_space<hbm>>
        %dma_start3A_435 = arith.constant 0 : i32
        %dma_start3A_436 = arith.constant 0 : i32
        %dma_start3A_437 = tpu.memref_slice %arg14[%dma_start3A_435, %dma_start3A_436] : memref<32x513xf32, #tpu.memory_space<vmem>> -> memref<32x512xf32, #tpu.memory_space<vmem>>
        tpu.enqueue_dma source(%dma_start3A_437 : memref<32x512xf32, #tpu.memory_space<vmem>>) target(%dma_start3A_434 : memref<32x512xf32, #tpu.memory_space<hbm>>) target_semaphore(%run_scoped3A : memref<!tpu.dma_semaphore, #tpu.memory_space<semaphore_mem>>)
        %dma_wait3A_438 = arith.constant 0 : i32
        %dma_wait3A_439 = arith.constant 0 : i32
        %dma_wait3A_440 = tpu.memref_slice %arg14[%dma_wait3A_438, %dma_wait3A_439] : memref<32x513xf32, #tpu.memory_space<vmem>> -> memref<32x512xf32, #tpu.memory_space<vmem>>
        %dma_wait3A_441 = arith.constant 0 : i32
        %dma_wait3A_442 = tpu.memref_slice %arg4[%select_n3A_404, %dma_wait3A_441, %mul3A_425] : memref<50x32x16384xf32, #tpu.memory_space<hbm>> -> memref<1x32x512xf32, #tpu.memory_space<hbm>>
        %dma_wait3A_443 = tpu.memref_squeeze %dma_wait3A_442 : memref<1x32x512xf32, #tpu.memory_space<hbm>> -> memref<32x512xf32, #tpu.memory_space<hbm>>
        %dma_wait3A_444 = arith.constant 0 : i32
        %dma_wait3A_445 = tpu.memref_slice %arg4[%select_n3A_404, %dma_wait3A_444, %mul3A_425] : memref<50x32x16384xf32, #tpu.memory_space<hbm>> -> memref<1x32x512xf32, #tpu.memory_space<hbm>>
        %dma_wait3A_446 = tpu.memref_squeeze %dma_wait3A_445 : memref<1x32x512xf32, #tpu.memory_space<hbm>> -> memref<32x512xf32, #tpu.memory_space<hbm>>
        %dma_wait3A_447 = arith.constant 0 : i32
        %dma_wait3A_448 = arith.constant 0 : i32
        %dma_wait3A_449 = tpu.memref_slice %arg14[%dma_wait3A_447, %dma_wait3A_448] : memref<32x513xf32, #tpu.memory_space<vmem>> -> memref<32x512xf32, #tpu.memory_space<vmem>>
        tpu.wait_dma2 semaphore(%run_scoped3A : memref<!tpu.dma_semaphore, #tpu.memory_space<semaphore_mem>>) src(%dma_wait3A_449 : memref<32x512xf32, #tpu.memory_space<vmem>>) dst(%dma_wait3A_446 : memref<32x512xf32, #tpu.memory_space<hbm>>)
        tpu.yield
      }) : () -> ()
    }
    %scan3A_115 = arith.constant 25 : i32
    return
  }
}

</mosaic_0001>

<sc_bundles>
// kernel: kernel.3.cloned.1.call-start
scs
__scs_entry_jumppad:
0x0: {  	(pc) =	sbr.rel $0x88, $3  }
0x1: {  	(tag) =	ssettag $0x0;
	lr =	simm.s32 $0x1  }
0x2: {  	[smem:$0x3F9F] =	sst lr;
	_ =	strace $0xD0000000  }
0x3: {  	_ = 	snop  }
0x4: {  	_ = 	snop  }
0x5: {  	_ = 	snop  }
0x6: {  	_ = 	snop  }
0x7: {  	_ = 	snop  }
__scs_overlays_trampoline_lowered:
0x8: {  	[smem:$0x3FAE] =	sst s0  }
0x9: {  	[smem:$0x3FAF] =	sst s1  }
0xa: {  	[smem:$0x3FB0] =	sst s2  }
0xb: {  	[smem:$0x3FB1] =	sst s3  }
0xc: {  	[smem:$0x3FB2] =	sst s4  }
0xd: {  	[smem:$0x3FB3] =	sst s5  }
0xe: {  	[smem:$0x3FB4] =	sst s6  }
0xf: {  	[smem:$0x3FB5] =	sst s7  }
0x10: {  	[smem:$0x3FB6] =	sst s8  }
0x11: {  	[smem:$0x3FB7] =	sst s9;
	s0 =	simm.s32 @!p0 $0x0  }
0x12: {  	s1 =	sld [smem:$0x3F9D];
	s0 =	simm.s32 @p0 $0x1  }
0x13: {  	[smem:$0x3FB8] =	sst s0;
	s0 =	simm.s32 @!p1 $0x0  }
0x14: {  	s2 =	sld [smem:$0x3F9C];
	s0 =	simm.s32 @p1 $0x1  }
0x15: {  	[smem:$0x3FB9] =	sst s0;
	s0 =	simm.s32 @!p2 $0x0  }
0x16: {  	s3 =	sld [smem:$0x3FDB];
	s0 =	simm.s32 @p2 $0x1  }
0x17: {  	s4 =	simm.s32 $0x1BF5;
	[smem:$0x3FBB] =	sst s0  }
0x18: {  	s0 =	sld [smem:$0x3F9E];
	_ =	swait.ge [sflag:s4], $0x0  }
0x19: {  	s7 =	sld [smem:$0x3F9F]  }
0x1a: {  	s8 =	sadd.s32 $0xFFFFE003, lr  }
0x1b: {  	s9 =	sadd.s32 $0xFFFFFEF7, lr;
	s5 =	simm.s32 $0xFFFFFFFF;
	p2 =	slt.u32 s8, $0xFFFFF086  }
0x1c: {  	p1 =	slt.u32 s9, $0xF7A;
	s5 =	simm.s32 @!p2 $0x0  }
0x1d: {  	s5 =	simm.s32 @p1 $0x1;
	p0 =	seq.s32 s7, s2  }
0x1e: {  	s7 =	smul.u32 @!p0 $0xF7A, s2;
	p2 =	seq.s32 @!p0 s5, $0x0  }
0x1f: {  	s9 =	smul.u32 $0xF7A, s1;
	s8 =	simm.s32 @!p0 $0x1BF5;
	p2 =	por !p2, p0  }
0x20: {  	[sflag:s8] =	ssyncset.s32 @!p0 $0xFFFFF086;
	s6 =	sadd.s32 @!p0 s3, s7;
	s7 =	simm.s32 @!p0 $0x108  }
0x21: {  	s3 =	sadd.s32 s3, s9;
	s6 =	sadd.s32 @!p0 $0x88, s6;
	s7 =	simm.s32 @p2 $0x1082  }
0x22: {  	[simem:s7], [sflag:s8] =	dma.local @!p0 [hbm:s6], $0xF7A  }
0x23: {  	s9 =	sor.u32 $0xD0000000, s2;
	s6 =	simm.s32 $0x108;
	_ =	swait.ge @!p0 [sflag:s8], $0x0  }
0x24: {  	s3 =	sadd.s32 $0x88, s3;
	s6 =	simm.s32 @!p1 $0x1082;
	[sflag:s4] =	ssyncset.s32 $0xFFFFF086  }
0x25: {  	[simem:s6], [sflag:s4] =	dma.local [hbm:s3], $0xF7A  }
0x26: {  	[smem:$0x3F9F] =	sst s1;
	(tag) =	ssettag s2;
	_ =	strace s9  }
0x27: {  	s1 =	sld [smem:$0x3FAF]  }
0x28: {  	s2 =	sld [smem:$0x3FB0]  }
0x29: {  	s4 =	sld [smem:$0x3FB2]  }
0x2a: {  	p0 =	seq.s32 s5, $0x0;
	s5 =	sld [smem:$0x3FB3]  }
0x2b: {  	s6 =	sld [smem:$0x3FB4]  }
0x2c: {  	s7 =	sld [smem:$0x3FB5]  }
0x2d: {  	s3 =	simm.s32 $0x108;
	s8 =	sld [smem:$0x3FB6]  }
0x2e: {  	s3 =	simm.s32 @!p0 $0x1082;
	s9 =	sld [smem:$0x3FB7]  }
0x2f: {  	lr =	sadd.s32 s0, s3;
	s0 =	sld [smem:$0x3FAE]  }
0x30: {  	s3 =	sld [smem:$0x3FB1]  }
0x31: {  	[smem:$0x3FBA] =	sst s10  }
0x32: {  	s10 =	sld [smem:$0x3FB8];
	_ =	sdelay $0x3  }
0x33: {  	p0 =	seq.s32 s10, $0x1;
	s10 =	sld [smem:$0x3FBA];
	_ =	sdelay $0x3  }
0x34: {  	[smem:$0x3FBA] =	sst s10  }
0x35: {  	s10 =	sld [smem:$0x3FB9];
	_ =	sdelay $0x3  }
0x36: {  	p1 =	seq.s32 s10, $0x1;
	s10 =	sld [smem:$0x3FBA];
	_ =	sdelay $0x3  }
0x37: {  	[smem:$0x3FBA] =	sst s10  }
0x38: {  	s10 =	sld [smem:$0x3FBB]  }
0x39: {  	_ = 	snop;
	(pc) =	sbr.ind lr, $3  }
0x3a: {  	_ = 	snop  }
0x3b: {  	_ = 	snop  }
0x3c: {  	p2 =	seq.s32 s10, $0x1;
	s10 =	sld [smem:$0x3FBA]  }
0x3d: {  	_ =	shalt  }
0x3e: {  	_ =	shalt  }
0x3f: {  	_ =	shalt  }
0x40: {  	_ =	shalt  }
0x41: {  	_ =	shalt  }
0x42: {  	_ =	shalt  }
0x43: {  	_ =	shalt  }
0x44: {  	_ =	shalt  }
0x45: {  	_ =	shalt  }
0x46: {  	_ =	shalt  }
0x47: {  	_ =	shalt  }
0x48: {  	_ =	shalt  }
0x49: {  	_ =	shalt  }
0x4a: {  	_ =	shalt  }
0x4b: {  	_ =	shalt  }
0x4c: {  	_ =	shalt  }
0x4d: {  	_ =	shalt  }
0x4e: {  	_ =	shalt  }
0x4f: {  	_ =	shalt  }
0x50: {  	_ =	shalt  }
0x51: {  	_ =	shalt  }
0x52: {  	_ =	shalt  }
0x53: {  	_ =	shalt  }
0x54: {  	_ =	shalt  }
0x55: {  	_ =	shalt  }
0x56: {  	_ =	shalt  }
0x57: {  	_ =	shalt  }
0x58: {  	_ =	shalt  }
0x59: {  	_ =	shalt  }
0x5a: {  	_ =	shalt  }
0x5b: {  	_ =	shalt  }
0x5c: {  	_ =	shalt  }
0x5d: {  	_ =	shalt  }
0x5e: {  	_ =	shalt  }
0x5f: {  	_ =	shalt  }
0x60: {  	_ =	shalt  }
0x61: {  	_ =	shalt  }
0x62: {  	_ =	shalt  }
0x63: {  	_ =	shalt  }
0x64: {  	_ =	shalt  }
0x65: {  	_ =	shalt  }
0x66: {  	_ =	shalt  }
0x67: {  	_ =	shalt  }
0x68: {  	_ =	shalt  }
0x69: {  	_ =	shalt  }
0x6a: {  	_ =	shalt  }
0x6b: {  	_ =	shalt  }
0x6c: {  	_ =	shalt  }
0x6d: {  	_ =	shalt  }
0x6e: {  	_ =	shalt  }
0x6f: {  	_ =	shalt  }
0x70: {  	_ =	shalt  }
0x71: {  	_ =	shalt  }
0x72: {  	_ =	shalt  }
0x73: {  	_ =	shalt  }
0x74: {  	_ =	shalt  }
0x75: {  	_ =	shalt  }
0x76: {  	_ =	shalt  }
0x77: {  	_ =	shalt  }
0x78: {  	_ =	shalt  }
0x79: {  	_ =	shalt  }
0x7a: {  	_ =	shalt  }
0x7b: {  	_ =	shalt  }
0x7c: {  	_ =	shalt  }
0x7d: {  	_ =	shalt  }
0x7e: {  	_ =	shalt  }
0x7f: {  	_ =	shalt  }
0x80: {  	_ =	shalt  }
0x81: {  	_ =	shalt  }
0x82: {  	_ =	shalt  }
0x83: {  	_ =	shalt  }
0x84: {  	_ =	shalt  }
0x85: {  	_ =	shalt  }
0x86: {  	_ =	shalt  }
0x87: {  	_ =	shalt  }
.Lfunc_end0:
.L_simem_size_0:
called_computation_lowered:
.L_overlay_start_0:
0x88: {  	s2 =	sld [smem:$0x3FD9]  }
0x89: {  	s3 =	sld [smem:$0x3FFE];
	_ =	sdelay $0x1  }
0x8a: {  	s1 =	srdreg.scid  }
0x8b: {  	s0 =	sand.u32 $0x1, s1  }
0x8c: {  	s17 =	sshll.u32 s0, $0xA;
	s2 =	sadd.s32 s3, s2  }
0x8d: {  	s2 =	sadd.s32 s2, s17  }
0x8e: {  	[smem:$0x3FC6] =	sst s2  }
0x8f: {  	_ = 	snop  }
0x90: {  	s2 =	sld [smem:$0x3FD0];
	(tm) =	ssettm $0x1  }
0x91: {  	s18 =	sld [smem:$0x3FFB];
	_ =	sdelay $0x3  }
0x92: {  	_ =	strace s18  }
0x93: {  	s3 =	sld [smem:$0x3FFC];
	_ =	sdelay $0x3  }
0x94: {  	_ =	strace s3  }
0x95: {  	s3 =	sld [smem:$0x3FFD];
	_ =	sdelay $0x3  }
0x96: {  	_ =	strace s3  }
0x97: {  	_ =	strace $0x8FFFFFFF  }
0x98: {  	s19 =	sld [smem:$0x3FDB];
	_ =	sdelay $0x1  }
0x99: {  	s4 =	simm.s32 $_scs_section_size  }
0x9a: {  	s5 =	simm.s32 $_size__tile_overlayer_lowered;
	s6 =	simm.s32 $_tile_overlayer_lowered  }
0x9b: {  	s22 =	simm.s32 $0x1BFF;
	s21 =	sshll.u32 s6, $0x1;
	s3 =	sadd.s32 s4, s19  }
0x9c: {  	s7 =	simm.s32 $0x0;
	s20 =	sshll.u32 s5, $0x1;
	s5 =	sadd.s32 s21, s3  }
0x9d: {  	[timem:s7], [sflag:s22] =	dma.local [hbm:s5], s20  }
0x9e: {  	_ =	swait.ge [sflag:s22], s20  }
0x9f: {  	s4 =	ssub.s32 $0x0, s20;
	[sflag:s22] =	ssyncset.done $0x0  }
0xa0: {  	[sflag:s22] =	ssyncadd.s32 s4;
	_ =	sdelay $0x1  }
0xa1: {  	s23 =	simm.s32 $0x1B8B  }
0xa2: {  	_ =	swait.ge [sflag:s23], $0x1  }
0xa3: {  	[sflag:s23] =	ssyncset.done $0x0  }
0xa4: {  	s25 =	simm.s32 $0x1B8E;
	s24 =	sld [smem:$0x3FFE];
	[sflag:s23] =	ssyncadd.s32 $0xFFFFFFFF  }
0xa5: {  	s26 =	simm.s32 $execute0_lowered;
	[smem:$0x3FD2] =	sst s25  }
0xa6: {  	s5 =	sshll.u32 s26, $0x1;
	_ =	strace $0x80000046;
	[dreg:$0x1] =	wrdreg $0xFFFFFFFF  }
0xa7: {  	s28 =	simm.s32 $_size_execute0_lowered;
	s3 =	sadd.s32 s3, s5;
	[dreg:$0x0] =	wrdreg $0x0  }
0xa8: {  	s5 =	sshll.u32 s28, $0x1;
	[dreg:$0x2] =	wrdreg s3  }
0xa9: {  	[dreg:$0x3] =	wrdreg s5  }
0xaa: {  	[dreg:$0x4] =	wrdreg $0xC0  }
0xab: {  	_ =	task [dreg:s7], $0x5FFFF  }
0xac: {  	[dreg:$0x1] =	wrdreg $0xFFFFFFFF  }
0xad: {  	[dreg:$0x0] =	wrdreg $0x60  }
0xae: {  	[dreg:$0x2] =	wrdreg s2  }
0xaf: {  	[dreg:$0x3] =	wrdreg s24  }
0xb0: {  	[dreg:$0x4] =	wrdreg $0x9E600  }
0xb1: {  	[dreg:$0x5] =	wrdreg $0x9  }
0xb2: {  	_ =	task.clear_ibuf [dreg:s7], $0x6FFFF;
	_ =	strace $0x90000046  }
0xb3: {  	s29 =	simm.s32 $0x9;
	_ =	strace $0x80000048  }
0xb4: {  	_ =	swait.ge [sflag:s29], $0x1  }
0xb5: {  	[sflag:s29] =	ssyncadd.s32 $0xFFFFFFFF  }
0xb6: {  	_ =	strace $0x90000048  }
0xb7: {  	_ =	sfence  }
0xb8: {  	s30 =	sld [smem:$0x0];
	_ =	sdelay $0x2  }
0xb9: {  	s31 =	sshll.u32 s1, $0xD;
	s1 =	sshrl.u32 s1, $0x2  }
0xba: {  	s3 =	sand.u32 $0x4000, s31;
	s1 =	sadd.s32 s1, s30  }
0xbb: {  	s0 =	sor.u32 s3, s0;
	s1 =	sshll.u32 s1, $0x11  }
0xbc: {  	s0 =	sor.u32 s1, s0  }
0xbd: {  	s0 =	sadd.s32 $0x8F2B, s0  }
0xbe: {  	[sflag:s0] =	ssyncadd.remote.s32 $0x1  }
0xbf: {  	_ =	sfence.sel $0xFFFF  }
0xc0: {  	[dreg:$0x0] =	wrdreg $0xFFFFFFFF;
	(pc) =	sbr.abs _section_cstart, $3  }
0xc1: {  	[dreg:$0x1] =	wrdreg $0xFFFFFFFF  }
0xc2: {  	_ =	task.clear_ibuf [dreg:s7], $0x2FFFF;
	_ =	strace $0x9FFFFFFF  }
0xc3: {  	(tm) =	ssettm $0x7FFFFFFF  }
tec
execute0_lowered:
.L_overlay_start_1:
0x0: {  	(tag) =	ssettag $0x1  }
0x1: {  	s1 =	rddreg [dreg:$0x0]  }
0x2: {  	s0 =	rddreg [dreg:$0x1]  }
0x3: {  	s11 =	rddreg [dreg:$0x2]  }
0x4: {  	s3 =	simm.s32 $0x0;
	s2 =	srdreg.scid;
	s12 =	stileid.u32  }
0x5: {  	s17 =	simm.s32 $0x4E20;
	s18 =	simm.s32 $0x1;
	s20 =	simm.s32 $0x3  }
0x6: {  	s23 =	simm.s32 $0x80;
	s19 =	simm.s32 $0xA100;
	s21 =	simm.s32 $0xA180  }
0x7: {  	s28 =	simm.s32 $0x2;
	s29 =	simm.s32 $0x12280;
	[smem:$0x7FF] =	sst s3  }
0x8: {  	s5 =	sadd.s32 $0xF42A00, s0;
	s2 =	sand.u32 $0x1, s2;
	s4 =	smul.u32 $0x3D090, s12  }
0x9: {  	s6 =	sadd.s32 $0x600, s0;
	s8 =	sshll.u32 s12, $0x1;
	s10 =	smul.u32 $0xF424, s12  }
0xa: {  	s26 =	sshll.u32 s12, $0x5;
	_ =	strace $0x80000047;
	s24 =	ssub.s32 $0x2, s2  }
0xb: {  	v0 =	vlaneseq.u32;
	s7 =	sshrl.u32 s24, $0x1;
	s25 =	sadd.s32 s5, s4;
	s9 =	sadd.s32 $0x271, s10  }
0xc: {  	v0 =	vmul.u32 $0x208, v0;
	s10 =	sadd.s32 $0x4E2, s10;
	s0 =	ssub.s32 s24, s7;
	s7 =	sor.u32 s2, s8  }
0xd: {  	[dreg:$0x4] =	wrdreg s25;
	s2 =	sadd.s32 s26, s11;
	s24 =	simm.s32 $0x10280  }
0xe: {  	v1 =	vadd.s32 $0x2080, v0;
	v2 =	vor.u32 $0x1, v0;
	v3 =	vadd.s32 $0x2081, v0;
	s25 =	simm.s32 $0xA200;
	s26 =	simm.s32 $0x11280;
	s30 =	smul.u32 $0x12, s7  }
0xf: {  	v4 =	vor.u32 $0x2, v0;
	v5 =	vadd.s32 $0x2082, v0;
	v6 =	vor.u32 $0x3, v0;
	[dreg:$0x5] =	wrdreg s2;
	s31 =	sshll.u32 s7, $0xB;
	s0 =	smax.u32 s0, $0x1  }
0x10: {  	v7 =	vadd.s32 $0x2083, v0;
	v8 =	vor.u32 $0x4, v0;
	v9 =	vadd.s32 $0x2084, v0;
	s8 =	simm.s32 $0x0;
	s2 =	sadd.s32 s1, s31;
	[dreg:$0x7] =	wrdreg s0  }
0x11: {  	v10 =	vor.u32 $0x5, v0;
	v11 =	vadd.s32 $0x2085, v0;
	v12 =	vor.u32 $0x6, v0;
	s0 =	simm.s32 $0xA080;
	[dreg:$0x6] =	wrdreg s2;
	s13 =	sadd.s32 $0xFFFFFFE1, s30  }
0x12: {  	v13 =	vadd.s32 $0x2086, v0;
	v14 =	vor.u32 $0x7, v0;
	v15 =	vadd.s32 $0x2087, v0;
	s14 =	sadd.s32 $0xFFFFFFE0, s30;
	s15 =	sadd.s32 $0xFFFFFFE2, s30;
	s2 =	simm.s32 $0xF280  }
.LBB2_1:
0x13: {  	[dreg:$0x8] =	wrdreg s8  }
0x14: {  	s4 =	rddreg [dreg:$0x4];
	s8 =	simm.s32 $0x0  }
0x15: {  	v16 =	vimm.f32 $0.0e+00;
	v17 =	vimm.f32 $0.0e+00;
	[tilespmem:s3], [sflag:$0x1] =	stream.linear.gather [hbm4b:s4+s3], $0x4E20, $0x38;
	[tilespmem:$0x16380] =	vst v63  }
.LBB2_2:
0x16: {  	s11 =	smul.u32 $0x4E2, s8;
	_ =	sdelay $0x1  }
0x17: {  	s4 =	sadd.s32 s11, s9  }
0x18: {  	s4 =	sshll.u32 s4, $0x2  }
0x19: {  	s4 =	sadd.s32 s5, s4  }
0x1a: {  	[tilespmem:s17], [sflag:$0x1] =	stream.linear.gather [hbm4b:s4+s3], $0x4E20, $0x38;
	[tilespmem:$0x16380] =	vst v63  }
0x1b: {  	_ =	swait.ge [sflag:s18], $0x4E20  }
0x1c: {  	[sflag:s18] =	ssyncset.done $0x0  }
0x1d: {  	s31 =	simm.s32 $0x80;
	[sflag:s18] =	ssyncadd.s32 $0xFFFFB1E0  }
0x1e: {  	v18 =	vld [tilespmem:s31+$0xFFFFFF80]  }
0x1f: {  	v19 =	vld [tilespmem:s31+$0xFFFFFF90]  }
0x20: {  	v20 =	vld [tilespmem:s31+$0xFFFFFFA0]  }
0x21: {  	v21 =	vld [tilespmem:s31+$0xFFFFFFB0]  }
0x22: {  	v22 =	vld [tilespmem:s31+$0xFFFFFFC0]  }
0x23: {  	v23 =	vld [tilespmem:s31+$0xFFFFFFD0]  }
0x24: {  	v24 =	vld [tilespmem:s31+$0xFFFFFFE0];
	v17 =	vadd.f32 v18, v17;
	v16 =	vadd.f32 v19, v16  }
0x25: {  	v19 =	vld [tilespmem:s31+$0xFFFFFFF0]  }
0x26: {  	v25 =	vld [tilespmem:s31+$0x0];
	v17 =	vadd.f32 v20, v17;
	v16 =	vadd.f32 v21, v16  }
0x27: {  	v20 =	vld [tilespmem:s31+$0x10]  }
0x28: {  	v18 =	vld [tilespmem:s31+$0x20];
	v17 =	vadd.f32 v22, v17;
	v22 =	vadd.f32 v23, v16  }
0x29: {  	v21 =	vld [tilespmem:s31+$0x30]  }
0x2a: {  	v16 =	vld [tilespmem:s31+$0x40];
	v23 =	vadd.f32 v24, v17;
	v63 =	vadd.f32 v19, v22  }
0x2b: {  	v19 =	vld [tilespmem:s31+$0x50]  }
0x2c: {  	v17 =	vld [tilespmem:s31+$0x60];
	v22 =	vadd.f32 v25, v23;
	v23 =	vadd.f32 v20, v63  }
0x2d: {  	s12 =	simm.s32 $0x0;
	s16 =	simm.s32 $0x180;
	v20 =	vld [tilespmem:s31+$0x70]  }
.LBB2_3:
0x2e: {  	v24 =	vld [tilespmem:s16+$0xFFFFFF80];
	v18 =	vadd.f32 v18, v22;
	v21 =	vadd.f32 v21, v23  }
0x2f: {  	s12 =	sadd.s32 $0x8, s12;
	v22 =	vld [tilespmem:s16+$0xFFFFFF90]  }
0x30: {  	p0 =	slt.u32 s12, $0x268;
	v23 =	vld [tilespmem:s16+$0xFFFFFFA0];
	v16 =	vadd.f32 v16, v18;
	v18 =	vadd.f32 v19, v21  }
0x31: {  	v19 =	vld [tilespmem:s16+$0xFFFFFFB0]  }
0x32: {  	v21 =	vld [tilespmem:s16+$0xFFFFFFC0];
	v16 =	vadd.f32 v17, v16;
	v17 =	vadd.f32 v20, v18  }
0x33: {  	v18 =	vld [tilespmem:s16+$0xFFFFFFD0]  }
0x34: {  	v16 =	vadd.f32 v24, v16;
	v17 =	vadd.f32 v22, v17;
	v20 =	vld [tilespmem:s16+$0xFFFFFFE0]  }
0x35: {  	v22 =	vld [tilespmem:s16+$0xFFFFFFF0]  }
0x36: {  	v16 =	vadd.f32 v23, v16;
	v17 =	vadd.f32 v19, v17;
	v23 =	vld [tilespmem:s16+$0x0]  }
0x37: {  	v24 =	vld [tilespmem:s16+$0x10]  }
0x38: {  	v16 =	vadd.f32 v21, v16;
	v17 =	vadd.f32 v18, v17;
	v18 =	vld [tilespmem:s16+$0x20]  }
.Ltmp0:
0x39: {  	v21 =	vld [tilespmem:s16+$0x30];
	(pc) =	sbr.rel @p0 .LBB2_3-.Ltmp0, $4  }
0x3a: {  	v20 =	vadd.f32 v20, v16;
	v17 =	vadd.f32 v22, v17;
	v16 =	vld [tilespmem:s16+$0x40]  }
0x3b: {  	v19 =	vld [tilespmem:s16+$0x50]  }
0x3c: {  	v22 =	vadd.f32 v23, v20;
	v23 =	vadd.f32 v24, v17;
	v17 =	vld [tilespmem:s16+$0x60]  }
0x3d: {  	v20 =	vld [tilespmem:s16+$0x70];
	s16 =	sadd.s32 $0x100, s16  }
0x3e: {  	p0 =	seq.s32 s8, $0x31  }
0x3f: {  	s4 =	sadd.s32 @!p0 s11, s10  }
0x40: {  	s4 =	sshll.u32 @!p0 s4, $0x2  }
0x41: {  	v24 =	vld [tilespmem:$0x4E00];
	s11 =	simm.s32 @!p0 $0x0;
	s4 =	sadd.s32 @!p0 s5, s4  }
0x42: {  	v25 =	vld [tilespmem:$0x4E10];
	[tilespmem:s11], [sflag:$0x1] =	stream.linear.gather @!p0 [hbm4b:s4+s11], $0x4E20, $0x38  }
0x43: {  	_ =	swait.ge [sflag:s18], $0x4E20  }
0x44: {  	v18 =	vadd.f32 v18, v22;
	v21 =	vadd.f32 v21, v23;
	[sflag:s18] =	ssyncset.done $0x0  }
0x45: {  	s31 =	simm.s32 $0x4EA0;
	[sflag:s18] =	ssyncadd.s32 $0xFFFFB1E0  }
0x46: {  	v16 =	vadd.f32 v16, v18;
	v18 =	vadd.f32 v19, v21;
	v22 =	vld [tilespmem:s31+$0xFFFFFF80]  }
0x47: {  	v19 =	vld [tilespmem:s31+$0xFFFFFF90]  }
0x48: {  	v16 =	vadd.f32 v17, v16;
	v17 =	vadd.f32 v20, v18;
	v21 =	vld [tilespmem:s31+$0xFFFFFFA0]  }
0x49: {  	v18 =	vld [tilespmem:s31+$0xFFFFFFB0]  }
0x4a: {  	v16 =	vadd.f32 v24, v16;
	v17 =	vadd.f32 v25, v17;
	v20 =	vld [tilespmem:s31+$0xFFFFFFC0]  }
0x4b: {  	v23 =	vld [tilespmem:s31+$0xFFFFFFD0]  }
0x4c: {  	v61 =	vld [tilespmem:s31+$0xFFFFFFE0];
	v16 =	vadd.f32 v22, v16;
	v17 =	vadd.f32 v19, v17  }
0x4d: {  	v19 =	vld [tilespmem:s31+$0xFFFFFFF0]  }
0x4e: {  	v22 =	vld [tilespmem:s31+$0x0];
	v16 =	vadd.f32 v21, v16;
	v18 =	vadd.f32 v18, v17  }
0x4f: {  	v21 =	vld [tilespmem:s31+$0x10]  }
0x50: {  	v17 =	vld [tilespmem:s31+$0x20];
	v62 =	vadd.f32 v20, v16;
	v18 =	vadd.f32 v23, v18  }
0x51: {  	v20 =	vld [tilespmem:s31+$0x30]  }
0x52: {  	v16 =	vld [tilespmem:s31+$0x40];
	v23 =	vadd.f32 v61, v62;
	v63 =	vadd.f32 v19, v18  }
0x53: {  	v19 =	vld [tilespmem:s31+$0x50]  }
0x54: {  	v18 =	vld [tilespmem:s31+$0x60];
	v22 =	vadd.f32 v22, v23;
	v23 =	vadd.f32 v21, v63  }
0x55: {  	s12 =	simm.s32 $0x4FA0;
	s11 =	simm.s32 $0x0;
	v21 =	vld [tilespmem:s31+$0x70]  }
.LBB2_5:
0x56: {  	v24 =	vld [tilespmem:s12+$0xFFFFFF80];
	v17 =	vadd.f32 v17, v22;
	v20 =	vadd.f32 v20, v23  }
0x57: {  	s11 =	sadd.s32 $0x8, s11;
	v22 =	vld [tilespmem:s12+$0xFFFFFF90]  }
0x58: {  	p0 =	slt.u32 s11, $0x268;
	v23 =	vld [tilespmem:s12+$0xFFFFFFA0];
	v16 =	vadd.f32 v16, v17;
	v17 =	vadd.f32 v19, v20  }
0x59: {  	v19 =	vld [tilespmem:s12+$0xFFFFFFB0]  }
0x5a: {  	v20 =	vld [tilespmem:s12+$0xFFFFFFC0];
	v16 =	vadd.f32 v18, v16;
	v17 =	vadd.f32 v21, v17  }
0x5b: {  	v18 =	vld [tilespmem:s12+$0xFFFFFFD0]  }
0x5c: {  	v16 =	vadd.f32 v24, v16;
	v17 =	vadd.f32 v22, v17;
	v21 =	vld [tilespmem:s12+$0xFFFFFFE0]  }
0x5d: {  	v22 =	vld [tilespmem:s12+$0xFFFFFFF0]  }
0x5e: {  	v16 =	vadd.f32 v23, v16;
	v17 =	vadd.f32 v19, v17;
	v23 =	vld [tilespmem:s12+$0x0]  }
0x5f: {  	v24 =	vld [tilespmem:s12+$0x10]  }
0x60: {  	v16 =	vadd.f32 v20, v16;
	v18 =	vadd.f32 v18, v17;
	v17 =	vld [tilespmem:s12+$0x20]  }
.Ltmp1:
0x61: {  	v20 =	vld [tilespmem:s12+$0x30];
	(pc) =	sbr.rel @p0 .LBB2_5-.Ltmp1, $4  }
0x62: {  	v21 =	vadd.f32 v21, v16;
	v18 =	vadd.f32 v22, v18;
	v16 =	vld [tilespmem:s12+$0x40]  }
0x63: {  	v19 =	vld [tilespmem:s12+$0x50]  }
0x64: {  	v22 =	vadd.f32 v23, v21;
	v23 =	vadd.f32 v24, v18;
	v18 =	vld [tilespmem:s12+$0x60]  }
0x65: {  	v21 =	vld [tilespmem:s12+$0x70];
	s12 =	sadd.s32 $0x100, s12  }
0x66: {  	v17 =	vadd.f32 v17, v22;
	v20 =	vadd.f32 v20, v23;
	v62 =	vld [tilespmem:$0x9C20];
	s8 =	sadd.s32 $0x1, s8  }
0x67: {  	v63 =	vld [tilespmem:$0x9C30];
	p0 =	sne.s32 s8, $0x32  }
.Ltmp2:
0x68: {  	v16 =	vadd.f32 v16, v17;
	v17 =	vadd.f32 v19, v20;
	(pc) =	sbr.rel @p0 .LBB2_2-.Ltmp2, $3  }
0x69: {  	_ = 	snop  }
0x6a: {  	v16 =	vadd.f32 v18, v16;
	v18 =	vadd.f32 v21, v17;
	_ =	sdelay $0x1  }
0x6b: {  	v17 =	vadd.f32 v62, v16;
	v16 =	vadd.f32 v63, v18  }
0x6c: {  	_ = 	snop  }
0x6d: {  	[tilespmem:$0x9C40] =	vst v17  }
0x6e: {  	s4 =	rddreg [dreg:$0x5];
	s8 =	simm.s32 $0x9C40;
	[tilespmem:$0x9C50] =	vst v16  }
0x6f: {  	[spmem:s4] =	stream.linear.scatter [tilespmem:s8], [sflag:$0x3], $0x20, $0x38;
	[tilespmem:$0x16380] =	vst v63  }
0x70: {  	_ =	swait.ge [sflag:s20], $0x20  }
0x71: {  	[sflag:s20] =	ssyncset.done $0x0  }
0x72: {  	[sflag:s20] =	ssyncadd.s32 $0xFFFFFFE0  }
0x73: {  	[bflag:$0x0] =	sbarrier.arrive $0xFFFF  }
0x74: {  	s16 =	simm.s32 $0x9C60;
	s12 =	rddreg [dreg:$0x2]  }
0x75: {  	[tilespmem:s16], [sflag:$0x3] =	stream.linear.gather [spmem:s12], $0x200, $0x38;
	[tilespmem:$0x16380] =	vst v63  }
0x76: {  	_ =	swait.ge [sflag:s20], $0x200  }
0x77: {  	[sflag:s20] =	ssyncset.done $0x0  }
0x78: {  	[sflag:s20] =	ssyncadd.s32 $0xFFFFFE00  }
0x79: {  	v16 =	vld [tilespmem:$0x9C60]  }
0x7a: {  	v17 =	vld [tilespmem:$0x9C70]  }
0x7b: {  	v18 =	vld [tilespmem:$0x9C80]  }
0x7c: {  	v19 =	vld [tilespmem:$0x9C90]  }
0x7d: {  	v20 =	vld [tilespmem:$0x9CA0]  }
0x7e: {  	v21 =	vld [tilespmem:$0x9CB0]  }
0x7f: {  	v22 =	vld [tilespmem:$0x9CC0]  }
0x80: {  	v23 =	vld [tilespmem:$0x9CD0]  }
0x81: {  	v24 =	vld [tilespmem:$0x9CE0]  }
0x82: {  	v25 =	vld [tilespmem:$0x9CF0];
	v16 =	vadd.f32 $0.0e+00, v16;
	v17 =	vadd.f32 $0.0e+00, v17  }
0x83: {  	v26 =	vld [tilespmem:$0x9D00]  }
0x84: {  	v27 =	vld [tilespmem:$0x9D10];
	v16 =	vadd.f32 v18, v16;
	v17 =	vadd.f32 v19, v17  }
0x85: {  	v28 =	vld [tilespmem:$0x9D20]  }
0x86: {  	v29 =	vld [tilespmem:$0x9D30];
	v16 =	vadd.f32 v20, v16;
	v17 =	vadd.f32 v21, v17  }
0x87: {  	v50 =	vld [tilespmem:$0x9D60]  }
0x88: {  	v51 =	vld [tilespmem:$0x9D70];
	v16 =	vadd.f32 v22, v16;
	v17 =	vadd.f32 v23, v17  }
0x89: {  	v52 =	vld [tilespmem:$0x9D80]  }
0x8a: {  	v18 =	vld [tilespmem:$0x9D40];
	v16 =	vadd.f32 v24, v16;
	v17 =	vadd.f32 v25, v17  }
0x8b: {  	v19 =	vld [tilespmem:$0x9D50]  }
0x8c: {  	v53 =	vld [tilespmem:$0x9D90];
	v16 =	vadd.f32 v26, v16;
	v17 =	vadd.f32 v27, v17  }
0x8d: {  	v54 =	vld [tilespmem:$0x9DA0]  }
0x8e: {  	v55 =	vld [tilespmem:$0x9DB0];
	v16 =	vadd.f32 v28, v16;
	v17 =	vadd.f32 v29, v17  }
0x8f: {  	v56 =	vld [tilespmem:$0x9DC0]  }
0x90: {  	v57 =	vld [tilespmem:$0x9DD0];
	v16 =	vadd.f32 v18, v16;
	v17 =	vadd.f32 v19, v17  }
0x91: {  	v58 =	vld [tilespmem:$0x9DE0]  }
0x92: {  	v59 =	vld [tilespmem:$0x9DF0];
	v16 =	vadd.f32 v50, v16;
	v17 =	vadd.f32 v51, v17  }
0x93: {  	v60 =	vld [tilespmem:$0x9E20]  }
0x94: {  	v61 =	vld [tilespmem:$0x9E30];
	v16 =	vadd.f32 v52, v16;
	v17 =	vadd.f32 v53, v17  }
0x95: {  	v62 =	vld [tilespmem:$0x9E40]  }
0x96: {  	v18 =	vld [tilespmem:$0x9E00];
	v16 =	vadd.f32 v54, v16;
	v17 =	vadd.f32 v55, v17  }
0x97: {  	s31 =	simm.s32 $0x0;
	s22 =	simm.s32 $0x9E80;
	s17 =	rddreg [dreg:$0x6];
	v19 =	vld [tilespmem:$0x9E10]  }
0x98: {  	v63 =	vld [tilespmem:$0x9E50];
	[tilespmem:s22], [sflag:$0x3] =	stream.linear.gather [hbm4b:s17+s31], $0x200, $0x38;
	v16 =	vadd.f32 v56, v16;
	v17 =	vadd.f32 v57, v17  }
0x99: {  	_ =	swait.ge [sflag:s20], $0x200  }
0x9a: {  	[sflag:s20] =	ssyncset.done $0x0;
	v16 =	vadd.f32 v58, v16;
	v17 =	vadd.f32 v59, v17  }
0x9b: {  	s30 =	simm.s32 $0xA280;
	[sflag:s20] =	ssyncadd.s32 $0xFFFFFE00  }
0x9c: {  	[tilespmem:s30], [sflag:$0x2] =	stream.indirect.gather [hbm4b:s5+s23], $0x20, s22, s23, $0xb8;
	v16 =	vadd.f32 v18, v16;
	v17 =	vadd.f32 v19, v17;
	[tilespmem:$0x16380] =	vst v63  }
0x9d: {  	s11 =	simm.s32 $0x9F00;
	s12 =	simm.s32 $0xB280  }
0x9e: {  	[tilespmem:s12], [sflag:$0x2] =	stream.indirect.gather [hbm4b:s5+s23], $0x20, s11, s23, $0xb8;
	v16 =	vadd.f32 v60, v16;
	v17 =	vadd.f32 v61, v17;
	[tilespmem:$0x16380] =	vst v63  }
0x9f: {  	s16 =	simm.s32 $0x9F80;
	s17 =	simm.s32 $0xC280  }
0xa0: {  	[tilespmem:s17], [sflag:$0x2] =	stream.indirect.gather [hbm4b:s5+s23], $0x20, s16, s23, $0xb8;
	v16 =	vadd.f32 v62, v16;
	v17 =	vadd.f32 v63, v17;
	[tilespmem:$0x16380] =	vst v63  }
0xa1: {  	s22 =	simm.s32 $0xA000;
	s30 =	simm.s32 $0xD280  }
0xa2: {  	[tilespmem:s30], [sflag:$0x2] =	stream.indirect.gather [hbm4b:s5+s23], $0x20, s22, s23, $0xb8;
	v16 =	vmul.f32 $-9.999999970e-07, v16;
	v17 =	vmul.f32 $-9.999999970e-07, v17;
	[tilespmem:$0x16380] =	vst v63  }
.LBB2_8:
0xa3: {  	s11 =	sshll.u32 s31, $0x1  }
0xa4: {  	s4 =	sadd.s32 s13, s11  }
0xa5: {  	s8 =	sshra.s32 s4, $0x1F  }
0xa6: {  	s12 =	sshrl.u32 s8, $0x1B  }
0xa7: {  	s12 =	sadd.s32 s12, s4  }
0xa8: {  	s12 =	sshra.s32 s12, $0x5  }
0xa9: {  	s16 =	sshllo.u32 s31, $0x1;
	s8 =	sadd.s32 s12, s8  }
0xaa: {  	p0 =	slt.u32 s31, $0x10;
	s4 =	sand.u32 $0x1F, s4;
	s8 =	sadd.s32 $0x20, s8  }
0xab: {  	s4 =	smov.u32 @p0 s16;
	s8 =	smov.u32 @p0 s7  }
0xac: {  	s22 =	sshll.u32 s4, $0x9;
	s17 =	sshll.u32 s8, $0xE  }
0xad: {  	s4 =	sadd.s32 s22, s17  }
0xae: {  	s4 =	sshrl.u32 s4, $0x3  }
0xaf: {  	s4 =	sadd.s32 s1, s4  }
0xb0: {  	[tilespmem:s0], [sflag:$0x3] =	stream.linear.gather [hbm4b:s4+s3], $0x200, $0x38;
	[tilespmem:$0x16380] =	vst v63  }
0xb1: {  	_ =	swait.ge [sflag:s20], $0x200  }
0xb2: {  	[sflag:s20] =	ssyncset.done $0x0  }
0xb3: {  	s30 =	simm.s32 $0xE280;
	[sflag:s20] =	ssyncadd.s32 $0xFFFFFE00  }
0xb4: {  	[tilespmem:s30], [sflag:$0x2] =	stream.indirect.gather [hbm4b:s5+s23], $0x20, s0, s23, $0xb8;
	[tilespmem:$0x16380] =	vst v63  }
0xb5: {  	_ = 	snop  }
0xb6: {  	[tilespmem:s2], [sflag:$0x2] =	stream.indirect.gather [hbm4b:s5+s23], $0x20, s19, s23, $0xb8;
	[tilespmem:$0x16380] =	vst v63  }
0xb7: {  	_ = 	snop  }
0xb8: {  	[tilespmem:s24], [sflag:$0x2] =	stream.indirect.gather [hbm4b:s5+s23], $0x20, s21, s23, $0xb8;
	[tilespmem:$0x16380] =	vst v63  }
0xb9: {  	_ = 	snop  }
0xba: {  	[tilespmem:s26], [sflag:$0x2] =	stream.indirect.gather [hbm4b:s5+s23], $0x20, s25, s23, $0xb8;
	[tilespmem:$0x16380] =	vst v63  }
0xbb: {  	_ =	swait.ge [sflag:s28], $0x1000  }
0xbc: {  	[sflag:s28] =	ssyncset.done $0x0  }
0xbd: {  	[sflag:s28] =	ssyncadd.s32 $0xFFFFF000  }
0xbe: {  	_ =	swait.ge [sflag:s28], $0x1000  }
0xbf: {  	[sflag:s28] =	ssyncset.done $0x0  }
0xc0: {  	[sflag:s28] =	ssyncadd.s32 $0xFFFFF000  }
0xc1: {  	_ =	swait.ge [sflag:s28], $0x1000  }
0xc2: {  	[sflag:s28] =	ssyncset.done $0x0  }
0xc3: {  	[sflag:s28] =	ssyncadd.s32 $0xFFFFF000  }
0xc4: {  	_ =	swait.ge [sflag:s28], $0x1000  }
0xc5: {  	[sflag:s28] =	ssyncset.done $0x0  }
0xc6: {  	s12 =	simm.s32 $0xA300;
	[sflag:s28] =	ssyncadd.s32 $0xFFFFF000  }
0xc7: {  	v19 =	vld [tilespmem:s12+$0xFFFFFF80]  }
0xc8: {  	v18 =	vimm.s32 $0x0  }
0xc9: {  	v20 =	vadd.s32 v0, v18;
	_ =	sdelay $0x2  }
0xca: {  	v19 =	vadd.f32 v19, v16;
	_ =	sdelay $0x1  }
0xcb: {  	[tilespmem:v20+s29+$0x0] =	vst.idx.msk $0xffff, v19  }
0xcc: {  	v19 =	vld [tilespmem:s12+$0xFFFFFF90];
	_ =	sdelay $0x1  }
0xcd: {  	v20 =	vadd.s32 v1, v18;
	_ =	sdelay $0x2  }
0xce: {  	v19 =	vadd.f32 v19, v17;
	_ =	sdelay $0x1  }
0xcf: {  	[tilespmem:v20+s29+$0x0] =	vst.idx.msk $0xffff, v19  }
0xd0: {  	v19 =	vld [tilespmem:s12+$0xFFFFFFA0];
	_ =	sdelay $0x1  }
0xd1: {  	v20 =	vadd.s32 v2, v18;
	_ =	sdelay $0x2  }
0xd2: {  	v19 =	vadd.f32 v19, v16;
	_ =	sdelay $0x1  }
0xd3: {  	[tilespmem:v20+s29+$0x0] =	vst.idx.msk $0xffff, v19  }
0xd4: {  	v19 =	vld [tilespmem:s12+$0xFFFFFFB0];
	_ =	sdelay $0x1  }
0xd5: {  	v20 =	vadd.s32 v3, v18;
	_ =	sdelay $0x2  }
0xd6: {  	v19 =	vadd.f32 v19, v17;
	_ =	sdelay $0x1  }
0xd7: {  	[tilespmem:v20+s29+$0x0] =	vst.idx.msk $0xffff, v19  }
0xd8: {  	v19 =	vld [tilespmem:s12+$0xFFFFFFC0];
	_ =	sdelay $0x1  }
0xd9: {  	v20 =	vadd.s32 v4, v18;
	_ =	sdelay $0x2  }
0xda: {  	v19 =	vadd.f32 v19, v16;
	_ =	sdelay $0x1  }
0xdb: {  	[tilespmem:v20+s29+$0x0] =	vst.idx.msk $0xffff, v19  }
0xdc: {  	v19 =	vld [tilespmem:s12+$0xFFFFFFD0];
	_ =	sdelay $0x1  }
0xdd: {  	v20 =	vadd.s32 v5, v18;
	_ =	sdelay $0x2  }
0xde: {  	v19 =	vadd.f32 v19, v17;
	_ =	sdelay $0x1  }
0xdf: {  	[tilespmem:v20+s29+$0x0] =	vst.idx.msk $0xffff, v19  }
0xe0: {  	v19 =	vld [tilespmem:s12+$0xFFFFFFE0];
	_ =	sdelay $0x1  }
0xe1: {  	v20 =	vadd.s32 v6, v18;
	_ =	sdelay $0x2  }
0xe2: {  	v19 =	vadd.f32 v19, v16;
	_ =	sdelay $0x1  }
0xe3: {  	[tilespmem:v20+s29+$0x0] =	vst.idx.msk $0xffff, v19  }
0xe4: {  	v19 =	vld [tilespmem:s12+$0xFFFFFFF0];
	_ =	sdelay $0x1  }
0xe5: {  	v20 =	vadd.s32 v7, v18;
	_ =	sdelay $0x2  }
0xe6: {  	v19 =	vadd.f32 v19, v17;
	_ =	sdelay $0x1  }
0xe7: {  	[tilespmem:v20+s29+$0x0] =	vst.idx.msk $0xffff, v19  }
0xe8: {  	v19 =	vld [tilespmem:s12+$0x0];
	_ =	sdelay $0x1  }
0xe9: {  	v20 =	vadd.s32 v8, v18;
	_ =	sdelay $0x2  }
0xea: {  	v19 =	vadd.f32 v19, v16;
	_ =	sdelay $0x1  }
0xeb: {  	[tilespmem:v20+s29+$0x0] =	vst.idx.msk $0xffff, v19  }
0xec: {  	v19 =	vld [tilespmem:s12+$0x10];
	_ =	sdelay $0x1  }
0xed: {  	v20 =	vadd.s32 v9, v18;
	_ =	sdelay $0x2  }
0xee: {  	v19 =	vadd.f32 v19, v17;
	_ =	sdelay $0x1  }
0xef: {  	[tilespmem:v20+s29+$0x0] =	vst.idx.msk $0xffff, v19  }
0xf0: {  	v19 =	vld [tilespmem:s12+$0x20];
	_ =	sdelay $0x1  }
0xf1: {  	v20 =	vadd.s32 v10, v18;
	_ =	sdelay $0x2  }
0xf2: {  	v19 =	vadd.f32 v19, v16;
	_ =	sdelay $0x1  }
0xf3: {  	[tilespmem:v20+s29+$0x0] =	vst.idx.msk $0xffff, v19  }
0xf4: {  	v19 =	vld [tilespmem:s12+$0x30];
	_ =	sdelay $0x1  }
0xf5: {  	v20 =	vadd.s32 v11, v18;
	_ =	sdelay $0x2  }
0xf6: {  	v19 =	vadd.f32 v19, v17;
	_ =	sdelay $0x1  }
0xf7: {  	[tilespmem:v20+s29+$0x0] =	vst.idx.msk $0xffff, v19  }
0xf8: {  	v19 =	vld [tilespmem:s12+$0x40];
	_ =	sdelay $0x1  }
0xf9: {  	v20 =	vadd.s32 v12, v18;
	_ =	sdelay $0x2  }
0xfa: {  	v19 =	vadd.f32 v19, v16;
	_ =	sdelay $0x1  }
0xfb: {  	[tilespmem:v20+s29+$0x0] =	vst.idx.msk $0xffff, v19  }
0xfc: {  	v19 =	vld [tilespmem:s12+$0x50];
	_ =	sdelay $0x1  }
0xfd: {  	v20 =	vadd.s32 v13, v18;
	_ =	sdelay $0x2  }
0xfe: {  	v19 =	vadd.f32 v19, v17;
	_ =	sdelay $0x1  }
0xff: {  	[tilespmem:v20+s29+$0x0] =	vst.idx.msk $0xffff, v19  }
0x100: {  	v19 =	vld [tilespmem:s12+$0x60];
	_ =	sdelay $0x1  }
0x101: {  	v20 =	vadd.s32 v14, v18;
	_ =	sdelay $0x2  }
0x102: {  	v19 =	vadd.f32 v19, v16;
	_ =	sdelay $0x1  }
0x103: {  	[tilespmem:v20+s29+$0x0] =	vst.idx.msk $0xffff, v19  }
0x104: {  	v20 =	vld [tilespmem:s12+$0x70];
	_ =	sdelay $0x1  }
0x105: {  	v19 =	vadd.s32 v15, v18;
	_ =	sdelay $0x2  }
0x106: {  	s16 =	simm.s32 $0x0;
	v20 =	vadd.f32 v20, v17  }
.LBB2_9:
0x107: {  	_ = 	snop  }
0x108: {  	s16 =	sadd.s32 $0x8, s16;
	v18 =	vadd.s32 $0x8, v18;
	s12 =	sadd.s32 $0x100, s12;
	[tilespmem:v19+s29+$0x0] =	vst.idx.msk $0xffff, v20  }
0x109: {  	p1 =	slt.u32 s16, $0x1F8;
	v19 =	vld [tilespmem:s12+$0xFFFFFF80];
	_ =	sdelay $0x1  }
0x10a: {  	v20 =	vadd.s32 v0, v18;
	_ =	sdelay $0x2  }
0x10b: {  	v19 =	vadd.f32 v19, v16;
	_ =	sdelay $0x1  }
0x10c: {  	[tilespmem:v20+s29+$0x0] =	vst.idx.msk $0xffff, v19  }
0x10d: {  	v19 =	vld [tilespmem:s12+$0xFFFFFF90];
	_ =	sdelay $0x1  }
0x10e: {  	v20 =	vadd.s32 v1, v18;
	_ =	sdelay $0x2  }
0x10f: {  	v19 =	vadd.f32 v19, v17;
	_ =	sdelay $0x1  }
0x110: {  	[tilespmem:v20+s29+$0x0] =	vst.idx.msk $0xffff, v19  }
0x111: {  	v19 =	vld [tilespmem:s12+$0xFFFFFFA0];
	_ =	sdelay $0x1  }
0x112: {  	v20 =	vadd.s32 v2, v18;
	_ =	sdelay $0x2  }
0x113: {  	v19 =	vadd.f32 v19, v16;
	_ =	sdelay $0x1  }
0x114: {  	[tilespmem:v20+s29+$0x0] =	vst.idx.msk $0xffff, v19  }
0x115: {  	v19 =	vld [tilespmem:s12+$0xFFFFFFB0];
	_ =	sdelay $0x1  }
0x116: {  	v20 =	vadd.s32 v3, v18;
	_ =	sdelay $0x2  }
0x117: {  	v19 =	vadd.f32 v19, v17;
	_ =	sdelay $0x1  }
0x118: {  	[tilespmem:v20+s29+$0x0] =	vst.idx.msk $0xffff, v19  }
0x119: {  	v19 =	vld [tilespmem:s12+$0xFFFFFFC0];
	_ =	sdelay $0x1  }
0x11a: {  	v20 =	vadd.s32 v4, v18;
	_ =	sdelay $0x2  }
0x11b: {  	v19 =	vadd.f32 v19, v16;
	_ =	sdelay $0x1  }
0x11c: {  	[tilespmem:v20+s29+$0x0] =	vst.idx.msk $0xffff, v19  }
0x11d: {  	v19 =	vld [tilespmem:s12+$0xFFFFFFD0];
	_ =	sdelay $0x1  }
0x11e: {  	v20 =	vadd.s32 v5, v18;
	_ =	sdelay $0x2  }
0x11f: {  	v19 =	vadd.f32 v19, v17;
	_ =	sdelay $0x1  }
0x120: {  	[tilespmem:v20+s29+$0x0] =	vst.idx.msk $0xffff, v19  }
0x121: {  	v19 =	vld [tilespmem:s12+$0xFFFFFFE0];
	_ =	sdelay $0x1  }
0x122: {  	v20 =	vadd.s32 v6, v18;
	_ =	sdelay $0x2  }
0x123: {  	v19 =	vadd.f32 v19, v16;
	_ =	sdelay $0x1  }
0x124: {  	[tilespmem:v20+s29+$0x0] =	vst.idx.msk $0xffff, v19  }
0x125: {  	v19 =	vld [tilespmem:s12+$0xFFFFFFF0];
	_ =	sdelay $0x1  }
0x126: {  	v20 =	vadd.s32 v7, v18;
	_ =	sdelay $0x2  }
0x127: {  	v19 =	vadd.f32 v19, v17;
	_ =	sdelay $0x1  }
0x128: {  	[tilespmem:v20+s29+$0x0] =	vst.idx.msk $0xffff, v19  }
0x129: {  	v19 =	vld [tilespmem:s12+$0x0];
	_ =	sdelay $0x1  }
0x12a: {  	v20 =	vadd.s32 v8, v18;
	_ =	sdelay $0x2  }
0x12b: {  	v19 =	vadd.f32 v19, v16;
	_ =	sdelay $0x1  }
0x12c: {  	[tilespmem:v20+s29+$0x0] =	vst.idx.msk $0xffff, v19  }
0x12d: {  	v19 =	vld [tilespmem:s12+$0x10];
	_ =	sdelay $0x1  }
0x12e: {  	v20 =	vadd.s32 v9, v18;
	_ =	sdelay $0x2  }
0x12f: {  	v19 =	vadd.f32 v19, v17;
	_ =	sdelay $0x1  }
0x130: {  	[tilespmem:v20+s29+$0x0] =	vst.idx.msk $0xffff, v19  }
0x131: {  	v19 =	vld [tilespmem:s12+$0x20];
	_ =	sdelay $0x1  }
0x132: {  	v20 =	vadd.s32 v10, v18;
	_ =	sdelay $0x2  }
0x133: {  	v19 =	vadd.f32 v19, v16;
	_ =	sdelay $0x1  }
0x134: {  	[tilespmem:v20+s29+$0x0] =	vst.idx.msk $0xffff, v19  }
0x135: {  	v19 =	vld [tilespmem:s12+$0x30];
	_ =	sdelay $0x1  }
0x136: {  	v20 =	vadd.s32 v11, v18;
	_ =	sdelay $0x2  }
0x137: {  	v19 =	vadd.f32 v19, v17;
	_ =	sdelay $0x1  }
0x138: {  	[tilespmem:v20+s29+$0x0] =	vst.idx.msk $0xffff, v19  }
0x139: {  	v19 =	vld [tilespmem:s12+$0x40];
	_ =	sdelay $0x1  }
0x13a: {  	v20 =	vadd.s32 v12, v18;
	_ =	sdelay $0x2  }
0x13b: {  	v19 =	vadd.f32 v19, v16;
	_ =	sdelay $0x1  }
0x13c: {  	[tilespmem:v20+s29+$0x0] =	vst.idx.msk $0xffff, v19  }
0x13d: {  	v19 =	vld [tilespmem:s12+$0x50];
	_ =	sdelay $0x1  }
0x13e: {  	v20 =	vadd.s32 v13, v18;
	_ =	sdelay $0x2  }
0x13f: {  	v19 =	vadd.f32 v19, v17;
	_ =	sdelay $0x1  }
0x140: {  	[tilespmem:v20+s29+$0x0] =	vst.idx.msk $0xffff, v19  }
0x141: {  	v19 =	vld [tilespmem:s12+$0x60];
	_ =	sdelay $0x1  }
0x142: {  	v20 =	vadd.s32 v14, v18;
	_ =	sdelay $0x2  }
0x143: {  	v19 =	vadd.f32 v19, v16;
	_ =	sdelay $0x1  }
0x144: {  	[tilespmem:v20+s29+$0x0] =	vst.idx.msk $0xffff, v19  }
0x145: {  	v20 =	vld [tilespmem:s12+$0x70]  }
.Ltmp3:
0x146: {  	(pc) =	sbr.rel @p1 .LBB2_9-.Ltmp3, $2  }
0x147: {  	v19 =	vadd.s32 v15, v18;
	_ =	sdelay $0x2  }
0x148: {  	v20 =	vadd.f32 v20, v17  }
0x149: {  	s4 =	sadd.s32 s14, s11  }
0x14a: {  	s12 =	sshra.s32 s4, $0x1F  }
0x14b: {  	s12 =	sshrl.u32 s12, $0x1B  }
0x14c: {  	s12 =	sadd.s32 s12, s4  }
0x14d: {  	s16 =	sand.u32 $0xFFFFFFE0, s12  }
0x14e: {  	p1 =	slt.s32 s4, $0x1;
	p2 =	sne.s32 s4, s16  }
0x14f: {  	p1 =	por !p1, !p2  }
0x150: {  	s16 =	simm.s32 $0x1;
	p1 =	por !p1, !p1  }
0x151: {  	s12 =	sshrl.u32 s12, $0x5;
	s16 =	simm.s32 @!p1 $0x0  }
0x152: {  	s12 =	ssub.s32 s12, s16  }
0x153: {  	s4 =	sand.u32 $0x1E, s4;
	s12 =	sadd.s32 $0x20, s12  }
0x154: {  	s4 =	smov.u32 @p0 s11;
	s12 =	smov.u32 @p0 s7  }
0x155: {  	s4 =	sshll.u32 s4, $0x9;
	s12 =	sshll.u32 s12, $0x13  }
0x156: {  	s4 =	sadd.s32 s4, s12  }
0x157: {  	s4 =	sshrl.u32 s4, $0x3  }
0x158: {  	s30 =	simm.s32 $0x800;
	s12 =	sadd.s32 s6, s4  }
0x159: {  	s17 =	simm.s32 $0x12488;
	[tilespmem:v19+s29+$0x0] =	vst.idx.msk $0xffff, v20;
	s16 =	simm.s32 $0x12280;
	s4 =	sadd.s32 $0x0, s12  }
.LBB2_11:
0x15a: {  	[hbm4b:s4+s3] =	stream.linear.scatter [tilespmem:s16], [sflag:$0x3], $0x200, $0x38;
	[tilespmem:$0x16380] =	vst v63  }
0x15b: {  	s4 =	smov.u32 s30;
	s16 =	smov.u32 s17;
	p0 =	sne.s32 s30, $0xF800  }
.Ltmp4:
0x15c: {  	s30 =	sadd.s32 $0x800, s30;
	(pc) =	sbr.rel @p0 .LBB2_11-.Ltmp4, $2  }
0x15d: {  	_ =	sdelay $0x2  }
0x15e: {  	s17 =	sadd.s32 $0x208, s17;
	s4 =	sadd.s32 s4, s12  }
0x15f: {  	[hbm4b:s4+s3] =	stream.linear.scatter [tilespmem:s16], [sflag:$0x3], $0x200, $0x38;
	[tilespmem:$0x16380] =	vst v63  }
0x160: {  	p0 =	seq.s32 s31, $0x18  }
0x161: {  	s4 =	sadd.s32 @!p0 s15, s11  }
0x162: {  	s12 =	sshra.s32 @!p0 s4, $0x1F  }
0x163: {  	s12 =	sshrl.u32 @!p0 s12, $0x1B  }
0x164: {  	s12 =	sadd.s32 @!p0 s12, s4  }
0x165: {  	s16 =	sand.u32 @!p0 $0xFFFFFFE0, s12  }
0x166: {  	p1 =	slt.s32 @!p0 s4, $0x1;
	p2 =	sne.s32 @!p0 s4, s16  }
0x167: {  	p1 =	por @!p0 !p1, !p2  }
0x168: {  	p1 =	por @!p0 !p1, !p1  }
0x169: {  	s16 =	simm.s32 @!p0 $0x1;
	p1 =	por !p1, p0  }
0x16a: {  	s11 =	sadd.s32 @!p0 $0x2, s11;
	s12 =	sshrl.u32 @!p0 s12, $0x5;
	s16 =	simm.s32 @p1 $0x0  }
0x16b: {  	s4 =	sand.u32 @!p0 $0x1E, s4;
	p1 =	slt.u32 @!p0 s31, $0xF;
	s12 =	ssub.s32 @!p0 s12, s16  }
0x16c: {  	p1 =	por !p1, p0;
	s16 =	smov.u32 s7;
	s12 =	sadd.s32 @!p0 $0x20, s12  }
0x16d: {  	s11 =	smov.u32 @p1 s4;
	s16 =	smov.u32 @p1 s12  }
0x16e: {  	_ =	swait.ge [sflag:s20], $0x4000;
	s11 =	sshll.u32 @!p0 s11, $0x9;
	s4 =	sshll.u32 @!p0 s16, $0xE  }
0x16f: {  	[sflag:s20] =	ssyncset.done $0x0;
	s4 =	sadd.s32 @!p0 s11, s4  }
0x170: {  	[sflag:s20] =	ssyncadd.s32 $0xFFFFC000;
	s4 =	sshrl.u32 @!p0 s4, $0x3  }
0x171: {  	s12 =	simm.s32 @!p0 $0x9E80;
	s11 =	simm.s32 @!p0 $0x0;
	s4 =	sadd.s32 @!p0 s1, s4  }
0x172: {  	[tilespmem:s12], [sflag:$0x3] =	stream.linear.gather @!p0 [hbm4b:s4+s11], $0x200, $0x38;
	[tilespmem:$0x16380] =	vst v63  }
0x173: {  	s4 =	simm.s32 @!p0 $0x3  }
0x174: {  	_ =	swait.ge @!p0 [sflag:s4], $0x200  }
0x175: {  	[sflag:s4] =	ssyncset.done @!p0 $0x0  }
0x176: {  	s11 =	simm.s32 @!p0 $0xA280;
	[sflag:s4] =	ssyncadd.s32 @!p0 $0xFFFFFE00;
	s4 =	simm.s32 @!p0 $0x80  }
0x177: {  	[tilespmem:s11], [sflag:$0x2] =	stream.indirect.gather @!p0 [hbm4b:s5+s4], $0x20, s12, s4, $0xb8;
	[tilespmem:$0x16380] =	vst v63  }
0x178: {  	s11 =	simm.s32 @!p0 $0x9F00;
	s12 =	simm.s32 @!p0 $0xB280  }
0x179: {  	[tilespmem:s12], [sflag:$0x2] =	stream.indirect.gather @!p0 [hbm4b:s5+s4], $0x20, s11, s4, $0xb8;
	[tilespmem:$0x16380] =	vst v63  }
0x17a: {  	s11 =	simm.s32 @!p0 $0x9F80;
	s12 =	simm.s32 @!p0 $0xC280  }
0x17b: {  	[tilespmem:s12], [sflag:$0x2] =	stream.indirect.gather @!p0 [hbm4b:s5+s4], $0x20, s11, s4, $0xb8;
	[tilespmem:$0x16380] =	vst v63  }
0x17c: {  	s11 =	simm.s32 @!p0 $0xA000;
	s12 =	simm.s32 @!p0 $0xD280  }
0x17d: {  	[tilespmem:s12], [sflag:$0x2] =	stream.indirect.gather @!p0 [hbm4b:s5+s4], $0x20, s11, s4, $0xb8;
	[tilespmem:$0x16380] =	vst v63  }
0x17e: {  	_ =	swait.ge [sflag:s28], $0x1000  }
0x17f: {  	[sflag:s28] =	ssyncset.done $0x0  }
0x180: {  	[sflag:s28] =	ssyncadd.s32 $0xFFFFF000  }
0x181: {  	_ =	swait.ge [sflag:s28], $0x1000  }
0x182: {  	[sflag:s28] =	ssyncset.done $0x0  }
0x183: {  	[sflag:s28] =	ssyncadd.s32 $0xFFFFF000  }
0x184: {  	_ =	swait.ge [sflag:s28], $0x1000  }
0x185: {  	[sflag:s28] =	ssyncset.done $0x0  }
0x186: {  	[sflag:s28] =	ssyncadd.s32 $0xFFFFF000  }
0x187: {  	_ =	swait.ge [sflag:s28], $0x1000  }
0x188: {  	[sflag:s28] =	ssyncset.done $0x0  }
0x189: {  	s11 =	simm.s32 $0xE300;
	[sflag:s28] =	ssyncadd.s32 $0xFFFFF000  }
0x18a: {  	v19 =	vld [tilespmem:s11+$0xFFFFFF80]  }
0x18b: {  	v18 =	vimm.s32 $0x0  }
0x18c: {  	v20 =	vadd.s32 v0, v18;
	_ =	sdelay $0x2  }
0x18d: {  	v19 =	vadd.f32 v19, v16;
	_ =	sdelay $0x1  }
0x18e: {  	[tilespmem:v20+s29+$0x0] =	vst.idx.msk $0xffff, v19  }
0x18f: {  	v19 =	vld [tilespmem:s11+$0xFFFFFF90];
	_ =	sdelay $0x1  }
0x190: {  	v20 =	vadd.s32 v1, v18;
	_ =	sdelay $0x2  }
0x191: {  	v19 =	vadd.f32 v19, v17;
	_ =	sdelay $0x1  }
0x192: {  	[tilespmem:v20+s29+$0x0] =	vst.idx.msk $0xffff, v19  }
0x193: {  	v19 =	vld [tilespmem:s11+$0xFFFFFFA0];
	_ =	sdelay $0x1  }
0x194: {  	v20 =	vadd.s32 v2, v18;
	_ =	sdelay $0x2  }
0x195: {  	v19 =	vadd.f32 v19, v16;
	_ =	sdelay $0x1  }
0x196: {  	[tilespmem:v20+s29+$0x0] =	vst.idx.msk $0xffff, v19  }
0x197: {  	v19 =	vld [tilespmem:s11+$0xFFFFFFB0];
	_ =	sdelay $0x1  }
0x198: {  	v20 =	vadd.s32 v3, v18;
	_ =	sdelay $0x2  }
0x199: {  	v19 =	vadd.f32 v19, v17;
	_ =	sdelay $0x1  }
0x19a: {  	[tilespmem:v20+s29+$0x0] =	vst.idx.msk $0xffff, v19  }
0x19b: {  	v19 =	vld [tilespmem:s11+$0xFFFFFFC0];
	_ =	sdelay $0x1  }
0x19c: {  	v20 =	vadd.s32 v4, v18;
	_ =	sdelay $0x2  }
0x19d: {  	v19 =	vadd.f32 v19, v16;
	_ =	sdelay $0x1  }
0x19e: {  	[tilespmem:v20+s29+$0x0] =	vst.idx.msk $0xffff, v19  }
0x19f: {  	v19 =	vld [tilespmem:s11+$0xFFFFFFD0];
	_ =	sdelay $0x1  }
0x1a0: {  	v20 =	vadd.s32 v5, v18;
	_ =	sdelay $0x2  }
0x1a1: {  	v19 =	vadd.f32 v19, v17;
	_ =	sdelay $0x1  }
0x1a2: {  	[tilespmem:v20+s29+$0x0] =	vst.idx.msk $0xffff, v19  }
0x1a3: {  	v19 =	vld [tilespmem:s11+$0xFFFFFFE0];
	_ =	sdelay $0x1  }
0x1a4: {  	v20 =	vadd.s32 v6, v18;
	_ =	sdelay $0x2  }
0x1a5: {  	v19 =	vadd.f32 v19, v16;
	_ =	sdelay $0x1  }
0x1a6: {  	[tilespmem:v20+s29+$0x0] =	vst.idx.msk $0xffff, v19  }
0x1a7: {  	v19 =	vld [tilespmem:s11+$0xFFFFFFF0];
	_ =	sdelay $0x1  }
0x1a8: {  	v20 =	vadd.s32 v7, v18;
	_ =	sdelay $0x2  }
0x1a9: {  	v19 =	vadd.f32 v19, v17;
	_ =	sdelay $0x1  }
0x1aa: {  	[tilespmem:v20+s29+$0x0] =	vst.idx.msk $0xffff, v19  }
0x1ab: {  	v19 =	vld [tilespmem:s11+$0x0];
	_ =	sdelay $0x1  }
0x1ac: {  	v20 =	vadd.s32 v8, v18;
	_ =	sdelay $0x2  }
0x1ad: {  	v19 =	vadd.f32 v19, v16;
	_ =	sdelay $0x1  }
0x1ae: {  	[tilespmem:v20+s29+$0x0] =	vst.idx.msk $0xffff, v19  }
0x1af: {  	v19 =	vld [tilespmem:s11+$0x10];
	_ =	sdelay $0x1  }
0x1b0: {  	v20 =	vadd.s32 v9, v18;
	_ =	sdelay $0x2  }
0x1b1: {  	v19 =	vadd.f32 v19, v17;
	_ =	sdelay $0x1  }
0x1b2: {  	[tilespmem:v20+s29+$0x0] =	vst.idx.msk $0xffff, v19  }
0x1b3: {  	v19 =	vld [tilespmem:s11+$0x20];
	_ =	sdelay $0x1  }
0x1b4: {  	v20 =	vadd.s32 v10, v18;
	_ =	sdelay $0x2  }
0x1b5: {  	v19 =	vadd.f32 v19, v16;
	_ =	sdelay $0x1  }
0x1b6: {  	[tilespmem:v20+s29+$0x0] =	vst.idx.msk $0xffff, v19  }
0x1b7: {  	v19 =	vld [tilespmem:s11+$0x30];
	_ =	sdelay $0x1  }
0x1b8: {  	v20 =	vadd.s32 v11, v18;
	_ =	sdelay $0x2  }
0x1b9: {  	v19 =	vadd.f32 v19, v17;
	_ =	sdelay $0x1  }
0x1ba: {  	[tilespmem:v20+s29+$0x0] =	vst.idx.msk $0xffff, v19  }
0x1bb: {  	v19 =	vld [tilespmem:s11+$0x40];
	_ =	sdelay $0x1  }
0x1bc: {  	v20 =	vadd.s32 v12, v18;
	_ =	sdelay $0x2  }
0x1bd: {  	v19 =	vadd.f32 v19, v16;
	_ =	sdelay $0x1  }
0x1be: {  	[tilespmem:v20+s29+$0x0] =	vst.idx.msk $0xffff, v19  }
0x1bf: {  	v19 =	vld [tilespmem:s11+$0x50];
	_ =	sdelay $0x1  }
0x1c0: {  	v20 =	vadd.s32 v13, v18;
	_ =	sdelay $0x2  }
0x1c1: {  	v19 =	vadd.f32 v19, v17;
	_ =	sdelay $0x1  }
0x1c2: {  	[tilespmem:v20+s29+$0x0] =	vst.idx.msk $0xffff, v19  }
0x1c3: {  	v19 =	vld [tilespmem:s11+$0x60];
	_ =	sdelay $0x1  }
0x1c4: {  	v20 =	vadd.s32 v14, v18;
	_ =	sdelay $0x2  }
0x1c5: {  	v19 =	vadd.f32 v19, v16;
	_ =	sdelay $0x1  }
0x1c6: {  	[tilespmem:v20+s29+$0x0] =	vst.idx.msk $0xffff, v19  }
0x1c7: {  	v20 =	vld [tilespmem:s11+$0x70];
	_ =	sdelay $0x1  }
0x1c8: {  	v19 =	vadd.s32 v15, v18;
	_ =	sdelay $0x2  }
0x1c9: {  	s12 =	simm.s32 $0x0;
	v20 =	vadd.f32 v20, v17  }
.LBB2_13:
0x1ca: {  	_ = 	snop  }
0x1cb: {  	s12 =	sadd.s32 $0x8, s12;
	v18 =	vadd.s32 $0x8, v18;
	s11 =	sadd.s32 $0x100, s11;
	[tilespmem:v19+s29+$0x0] =	vst.idx.msk $0xffff, v20  }
0x1cc: {  	p0 =	slt.u32 s12, $0x1F8;
	v19 =	vld [tilespmem:s11+$0xFFFFFF80];
	_ =	sdelay $0x1  }
0x1cd: {  	v20 =	vadd.s32 v0, v18;
	_ =	sdelay $0x2  }
0x1ce: {  	v19 =	vadd.f32 v19, v16;
	_ =	sdelay $0x1  }
0x1cf: {  	[tilespmem:v20+s29+$0x0] =	vst.idx.msk $0xffff, v19  }
0x1d0: {  	v19 =	vld [tilespmem:s11+$0xFFFFFF90];
	_ =	sdelay $0x1  }
0x1d1: {  	v20 =	vadd.s32 v1, v18;
	_ =	sdelay $0x2  }
0x1d2: {  	v19 =	vadd.f32 v19, v17;
	_ =	sdelay $0x1  }
0x1d3: {  	[tilespmem:v20+s29+$0x0] =	vst.idx.msk $0xffff, v19  }
0x1d4: {  	v19 =	vld [tilespmem:s11+$0xFFFFFFA0];
	_ =	sdelay $0x1  }
0x1d5: {  	v20 =	vadd.s32 v2, v18;
	_ =	sdelay $0x2  }
0x1d6: {  	v19 =	vadd.f32 v19, v16;
	_ =	sdelay $0x1  }
0x1d7: {  	[tilespmem:v20+s29+$0x0] =	vst.idx.msk $0xffff, v19  }
0x1d8: {  	v19 =	vld [tilespmem:s11+$0xFFFFFFB0];
	_ =	sdelay $0x1  }
0x1d9: {  	v20 =	vadd.s32 v3, v18;
	_ =	sdelay $0x2  }
0x1da: {  	v19 =	vadd.f32 v19, v17;
	_ =	sdelay $0x1  }
0x1db: {  	[tilespmem:v20+s29+$0x0] =	vst.idx.msk $0xffff, v19  }
0x1dc: {  	v19 =	vld [tilespmem:s11+$0xFFFFFFC0];
	_ =	sdelay $0x1  }
0x1dd: {  	v20 =	vadd.s32 v4, v18;
	_ =	sdelay $0x2  }
0x1de: {  	v19 =	vadd.f32 v19, v16;
	_ =	sdelay $0x1  }
0x1df: {  	[tilespmem:v20+s29+$0x0] =	vst.idx.msk $0xffff, v19  }
0x1e0: {  	v19 =	vld [tilespmem:s11+$0xFFFFFFD0];
	_ =	sdelay $0x1  }
0x1e1: {  	v20 =	vadd.s32 v5, v18;
	_ =	sdelay $0x2  }
0x1e2: {  	v19 =	vadd.f32 v19, v17;
	_ =	sdelay $0x1  }
0x1e3: {  	[tilespmem:v20+s29+$0x0] =	vst.idx.msk $0xffff, v19  }
0x1e4: {  	v19 =	vld [tilespmem:s11+$0xFFFFFFE0];
	_ =	sdelay $0x1  }
0x1e5: {  	v20 =	vadd.s32 v6, v18;
	_ =	sdelay $0x2  }
0x1e6: {  	v19 =	vadd.f32 v19, v16;
	_ =	sdelay $0x1  }
0x1e7: {  	[tilespmem:v20+s29+$0x0] =	vst.idx.msk $0xffff, v19  }
0x1e8: {  	v19 =	vld [tilespmem:s11+$0xFFFFFFF0];
	_ =	sdelay $0x1  }
0x1e9: {  	v20 =	vadd.s32 v7, v18;
	_ =	sdelay $0x2  }
0x1ea: {  	v19 =	vadd.f32 v19, v17;
	_ =	sdelay $0x1  }
0x1eb: {  	[tilespmem:v20+s29+$0x0] =	vst.idx.msk $0xffff, v19  }
0x1ec: {  	v19 =	vld [tilespmem:s11+$0x0];
	_ =	sdelay $0x1  }
0x1ed: {  	v20 =	vadd.s32 v8, v18;
	_ =	sdelay $0x2  }
0x1ee: {  	v19 =	vadd.f32 v19, v16;
	_ =	sdelay $0x1  }
0x1ef: {  	[tilespmem:v20+s29+$0x0] =	vst.idx.msk $0xffff, v19  }
0x1f0: {  	v19 =	vld [tilespmem:s11+$0x10];
	_ =	sdelay $0x1  }
0x1f1: {  	v20 =	vadd.s32 v9, v18;
	_ =	sdelay $0x2  }
0x1f2: {  	v19 =	vadd.f32 v19, v17;
	_ =	sdelay $0x1  }
0x1f3: {  	[tilespmem:v20+s29+$0x0] =	vst.idx.msk $0xffff, v19  }
0x1f4: {  	v19 =	vld [tilespmem:s11+$0x20];
	_ =	sdelay $0x1  }
0x1f5: {  	v20 =	vadd.s32 v10, v18;
	_ =	sdelay $0x2  }
0x1f6: {  	v19 =	vadd.f32 v19, v16;
	_ =	sdelay $0x1  }
0x1f7: {  	[tilespmem:v20+s29+$0x0] =	vst.idx.msk $0xffff, v19  }
0x1f8: {  	v19 =	vld [tilespmem:s11+$0x30];
	_ =	sdelay $0x1  }
0x1f9: {  	v20 =	vadd.s32 v11, v18;
	_ =	sdelay $0x2  }
0x1fa: {  	v19 =	vadd.f32 v19, v17;
	_ =	sdelay $0x1  }
0x1fb: {  	[tilespmem:v20+s29+$0x0] =	vst.idx.msk $0xffff, v19  }
0x1fc: {  	v19 =	vld [tilespmem:s11+$0x40];
	_ =	sdelay $0x1  }
0x1fd: {  	v20 =	vadd.s32 v12, v18;
	_ =	sdelay $0x2  }
0x1fe: {  	v19 =	vadd.f32 v19, v16;
	_ =	sdelay $0x1  }
0x1ff: {  	[tilespmem:v20+s29+$0x0] =	vst.idx.msk $0xffff, v19  }
0x200: {  	v19 =	vld [tilespmem:s11+$0x50];
	_ =	sdelay $0x1  }
0x201: {  	v20 =	vadd.s32 v13, v18;
	_ =	sdelay $0x2  }
0x202: {  	v19 =	vadd.f32 v19, v17;
	_ =	sdelay $0x1  }
0x203: {  	[tilespmem:v20+s29+$0x0] =	vst.idx.msk $0xffff, v19  }
0x204: {  	v19 =	vld [tilespmem:s11+$0x60];
	_ =	sdelay $0x1  }
0x205: {  	v20 =	vadd.s32 v14, v18;
	_ =	sdelay $0x2  }
0x206: {  	v19 =	vadd.f32 v19, v16;
	_ =	sdelay $0x1  }
0x207: {  	[tilespmem:v20+s29+$0x0] =	vst.idx.msk $0xffff, v19  }
0x208: {  	v20 =	vld [tilespmem:s11+$0x70]  }
.Ltmp5:
0x209: {  	(pc) =	sbr.rel @p0 .LBB2_13-.Ltmp5, $2  }
0x20a: {  	v19 =	vadd.s32 v15, v18;
	_ =	sdelay $0x2  }
0x20b: {  	v20 =	vadd.f32 v20, v17  }
0x20c: {  	s4 =	sshll.u32 s8, $0x13  }
0x20d: {  	s4 =	sadd.s32 s22, s4  }
0x20e: {  	s4 =	sshrl.u32 s4, $0x3  }
0x20f: {  	s11 =	simm.s32 $0x12280;
	s8 =	sadd.s32 s6, s4  }
0x210: {  	s12 =	simm.s32 $0x800;
	s16 =	simm.s32 $0x12488;
	[tilespmem:v19+s29+$0x0] =	vst.idx.msk $0xffff, v20;
	s4 =	sadd.s32 $0x0, s8  }
.LBB2_15:
0x211: {  	[hbm4b:s4+s3] =	stream.linear.scatter [tilespmem:s11], [sflag:$0x3], $0x200, $0x38;
	[tilespmem:$0x16380] =	vst v63  }
0x212: {  	s4 =	smov.u32 s12;
	s11 =	smov.u32 s16;
	p0 =	sne.s32 s12, $0xF800  }
.Ltmp6:
0x213: {  	s12 =	sadd.s32 $0x800, s12;
	(pc) =	sbr.rel @p0 .LBB2_15-.Ltmp6, $2  }
0x214: {  	_ =	sdelay $0x2  }
0x215: {  	s16 =	sadd.s32 $0x208, s16;
	s4 =	sadd.s32 s4, s8  }
0x216: {  	s31 =	sadd.s32 $0x1, s31  }
0x217: {  	p0 =	sne.s32 s31, $0x19  }
.Ltmp7:
0x218: {  	_ = 	snop;
	(pc) =	sbr.rel @p0 .LBB2_8-.Ltmp7, $4  }
0x219: {  	[hbm4b:s4+s3] =	stream.linear.scatter [tilespmem:s11], [sflag:$0x3], $0x200, $0x38;
	[tilespmem:$0x16380] =	vst v63  }
0x21a: {  	_ =	swait.ge [sflag:s20], $0x4000  }
0x21b: {  	[sflag:s20] =	ssyncset.done $0x0  }
0x21c: {  	[sflag:s20] =	ssyncadd.s32 $0xFFFFC000  }
0x21d: {  	s8 =	rddreg [dreg:$0x8]  }
0x21e: {  	s4 =	rddreg [dreg:$0x7];
	s8 =	sadd.s32 $0x1, s8  }
0x21f: {  	p0 =	sne.s32 s8, s4  }
.Ltmp8:
0x220: {  	_ = 	snop;
	(pc) =	sbr.rel @p0 .LBB2_1-.Ltmp8, $2  }
0x221: {  	_ =	sdelay $0x2  }
0x222: {  	s17 =	simm.s32 $0x4E20  }
0x223: {  	_ =	sfence.sel $0x180000  }
0x224: {  	[bflag:$0x0] =	sbarrier.arrive $0xFFFF  }
0x225: {  	_ =	strace $0x90000047  }
0x226: {  	s0 =	stileid.u32;
	[bflag:$0x2] =	sbarrier.arrive $0xFFFF  }
0x227: {  	p0 =	sne.s32 s0, $0x0;
	s0 =	rddreg [dreg:$0x3]  }
0x228: {  	s0 =	sadd.s32 @!p0 $0x100000, s0  }
0x229: {  	[sflag:s0] =	ssyncadd.tile.s32 @!p0 $0x1;
	_ =	shalt  }
.Lfunc_end2:
_tile_overlayer_lowered:
.L_overlay_start_2:
0x22a: {  	(tag) =	ssettag $0x2  }
0x22b: {  	s0 =	rddreg [dreg:$0x0];
	s2 =	stileid.u32  }
0x22c: {  	s1 =	rddreg [dreg:$0x1];
	p0 =	sne.s32 s2, $0x0  }
0x22d: {  	s3 =	rddreg [dreg:$0x2];
	[bflag:$0x3] =	sbarrier.arrive $0xFFFF;
	s2 =	simm.s32 @!p0 $0x1C03  }
0x22e: {  	[timem:s3], [sflag:s2] =	dma.local @!p0 [hbm:s0], s1  }
0x22f: {  	s0 =	simm.s32 @!p0 $0x3  }
0x230: {  	_ =	swait.ge @!p0 [sflag:s0], s1  }
0x231: {  	s1 =	ssub.s32 @!p0 $0x0, s1;
	[sflag:s0] =	ssyncset.done @!p0 $0x0  }
0x232: {  	[sflag:s0] =	ssyncadd.s32 @!p0 s1  }
0x233: {  	[bflag:$0x3] =	sbarrier.arrive $0xFFFF  }
0x234: {  	_ =	shalt  }

</sc_bundles>
